<compile_context>
chip_gen: v7x
topology: tpu7x:2x2x1
jax: 0.10.2.dev20260603
libtpu: 0.0.44.dev20260713+nightly
codegen_flags: <defaults>
</compile_context>

<pallas_src>
import functools
import math

import jax
import jax.numpy as jnp
from jax import lax
from jax.experimental import pallas as pl
from jax.experimental.pallas import tpu as pltpu
from jax.experimental.pallas import tpu_sc as plsc

_D = 64
_B = 4096
_L = 200

_NC = 2
_NS = 16
_NW = _NC * _NS

_N = _B * _L
_ROWS_PER_W = _N // _NW
_K = 128
_CHUNKS = _ROWS_PER_W // _K
_UNROLL = 8
_SCALE = math.sqrt(_D)


def _emb_body(idx_hbm, lut_hbm, out_hbm,
              idx0, idx1, idx2, idx3, rows0, rows1, rows2, rows3,
              stg0, stg1,
              isem0, isem1, isem2, isem3,
              gsem0, gsem1, gsem2, gsem3, wsem0, wsem1):
    wid = lax.axis_index("s") * _NC + lax.axis_index("c")
    base = wid * _ROWS_PER_W

    idxs = (idx0, idx1, idx2, idx3)
    rows = (rows0, rows1, rows2, rows3)
    stgs = (stg0, stg1)
    isems = (isem0, isem1, isem2, isem3)
    gsems = (gsem0, gsem1, gsem2, gsem3)
    wsems = (wsem0, wsem1)

    def fire_i(g, b):
        pltpu.make_async_copy(
            idx_hbm.at[pl.ds(base + g * _K, _K)], idxs[b], isems[b]).start()

    def wait_i(b):
        pltpu.make_async_copy(
            idx_hbm.at[pl.ds(0, _K)], idxs[b], isems[b]).wait()

    def fire_g(b):
        pltpu.make_async_copy(
            lut_hbm.at[idxs[b]], rows[b], gsems[b]).start()

    def wait_g(b):
        pltpu.make_async_copy(
            lut_hbm.at[pl.ds(0, _K), :], rows[b], gsems[b]).wait()

    def fire_w(g, b):
        pltpu.make_async_copy(
            stgs[b], out_hbm.at[pl.ds(base + g * _K, _K), :], wsems[b]).start()

    def wait_w(b):
        pltpu.make_async_copy(
            stgs[b], out_hbm.at[pl.ds(0, _K), :], wsems[b]).wait()

    def scale(rb, sb):
        r = rows[rb]
        s = stgs[sb]

        @plsc.parallel_loop(0, _K, step=1, unroll=_UNROLL)
        def body(i):
            for t in range(_D // 16):
                s[i, pl.ds(16 * t, 16)] = r[i, pl.ds(16 * t, 16)] * _SCALE

    for g in range(4):
        fire_i(g, g)
    for g in range(3):
        wait_i(g)
        fire_g(g)
    fire_w(0, 0)
    fire_w(1, 1)

    def quad(q, carry):
        for cc in range(4):
            c = q * 4 + cc
            wait_g(cc)
            wait_w(cc % 2)
            scale(cc, cc % 2)
            fire_w(c, cc % 2)

            @pl.when(c + 4 < _CHUNKS)
            def _():
                fire_i(c + 4, cc)

            @pl.when(c + 3 < _CHUNKS)
            def _():
                wait_i((cc + 3) % 4)
                fire_g((cc + 3) % 4)

        return carry

    lax.fori_loop(0, _CHUNKS // 4, quad, 0)
    wait_w(0)
    wait_w(1)


def kernel(x, lut):
    idx1d = x.reshape(_N)
    lut_pad = jnp.pad(lut, ((0, 0), (0, 128 - _D)))
    run = functools.partial(
        pl.kernel,
        mesh=plsc.VectorSubcoreMesh(core_axis_name="c", subcore_axis_name="s"),
        out_type=jax.ShapeDtypeStruct((_N, _D), jnp.float32),
        scratch_types=(
            [pltpu.VMEM((_K,), jnp.int32)] * 4
            + [pltpu.VMEM((_K, 128), jnp.float32)] * 4
            + [pltpu.VMEM((_K, _D), jnp.float32)] * 2
            + [pltpu.SemaphoreType.DMA] * 10
        ),
        compiler_params=pltpu.CompilerParams(use_tc_tiling_on_sc=True),
    )(_emb_body)
    out = run(idx1d, lut_pad)
    return out.reshape(_B, _L, _D)

# --- scband reference (transcript-rebuilt; emitter-appended) ---
"""Pipeline reference for scband-embeddings-12850542150526 (READ-ONLY COPY).

The authoritative reference and input builder live on the scoring server;
editing this copy changes nothing except your own understanding.
"""

import jax, jax.numpy as jnp
import numpy as np
import math

VOCAB = 1000000
D_MODEL = 64
B = 4096
L = 200

def setup_inputs(seed: int = 0) -> dict:
    key = jax.random.key(seed)
    k1, k2 = jax.random.split(key)
    x = jax.random.randint(k1, (B, L), 0, VOCAB, dtype=jnp.int64 if jax.config.jax_enable_x64 else jnp.int32).astype(jnp.int32)
    # nn.Embedding default init: N(0, 1)
    lut = jax.random.normal(k2, (VOCAB, D_MODEL), dtype=jnp.float32)
    return {"x": x, "lut": lut}

def reference(x, lut):
    # Embeddings.forward: self.lut(x) * math.sqrt(self.d_model)
    emb = jnp.take(lut, x, axis=0)
    return emb * math.sqrt(D_MODEL)

if __name__ == "__main__":
    import jax
    _d = setup_inputs()
    print(jax.jit(kernel)(*tuple(_d.values())))

</pallas_src>

<mosaic_0001>
#map = affine_map<(d0, d1) -> (0)>
#map1 = affine_map<(d0, d1) -> (0, 0)>
module attributes {stable_mosaic.version = 14 : i64} {
  func.func @_emb_body(%arg0: i32, %arg1: i32, %arg2: memref<819200xi32, #tpu.memory_space<hbm>>, %arg3: memref<1000000x128xf32, #tpu.memory_space<hbm>>, %arg4: memref<819200x64xf32, #tpu.memory_space<hbm>>, %arg5: memref<128xi32, #tpu.memory_space<vmem>>, %arg6: memref<128xi32, #tpu.memory_space<vmem>>, %arg7: memref<128xi32, #tpu.memory_space<vmem>>, %arg8: memref<128xi32, #tpu.memory_space<vmem>>, %arg9: memref<128x128xf32, #tpu.memory_space<vmem>>, %arg10: memref<128x128xf32, #tpu.memory_space<vmem>>, %arg11: memref<128x128xf32, #tpu.memory_space<vmem>>, %arg12: memref<128x128xf32, #tpu.memory_space<vmem>>, %arg13: memref<128x64xf32, #tpu.memory_space<vmem>>, %arg14: memref<128x64xf32, #tpu.memory_space<vmem>>, %arg15: memref<!tpu.dma_semaphore, #tpu.memory_space<semaphore_mem>>, %arg16: memref<!tpu.dma_semaphore, #tpu.memory_space<semaphore_mem>>, %arg17: memref<!tpu.dma_semaphore, #tpu.memory_space<semaphore_mem>>, %arg18: memref<!tpu.dma_semaphore, #tpu.memory_space<semaphore_mem>>, %arg19: memref<!tpu.dma_semaphore, #tpu.memory_space<semaphore_mem>>, %arg20: memref<!tpu.dma_semaphore, #tpu.memory_space<semaphore_mem>>, %arg21: memref<!tpu.dma_semaphore, #tpu.memory_space<semaphore_mem>>, %arg22: memref<!tpu.dma_semaphore, #tpu.memory_space<semaphore_mem>>, %arg23: memref<!tpu.dma_semaphore, #tpu.memory_space<semaphore_mem>>, %arg24: memref<!tpu.dma_semaphore, #tpu.memory_space<semaphore_mem>>) attributes {dimension_semantics = [#tpu.dimension_semantics<core_parallel>, #tpu.dimension_semantics<subcore_parallel>], iteration_bounds = array<i64: 2, 16>, scalar_prefetch = 0 : i64, scratch_operands = 20 : i64, tpu.core_type = #tpu.core_type<sc_vector_subcore>, window_params = [{transform_indices = #map}, {transform_indices = #map1}, {transform_indices = #map1}]} {
    %mul3A = arith.constant 2 : i32
    %mul3A_0 = arith.muli %arg1, %mul3A : i32
    %add3A = arith.addi %mul3A_0, %arg0 : i32
    %mul3A_1 = arith.constant 25600 : i32
    %mul3A_2 = arith.muli %add3A, %mul3A_1 : i32
    %add3A_3 = arith.constant 0 : i32
    %add3A_4 = arith.addi %mul3A_2, %add3A_3 : i32
    %dma_start3A = tpu.memref_slice %arg2[%add3A_4] : memref<819200xi32, #tpu.memory_space<hbm>> -> memref<128xi32, #tpu.memory_space<hbm>>
    %dma_start3A_5 = tpu.memref_slice %arg2[%add3A_4] : memref<819200xi32, #tpu.memory_space<hbm>> -> memref<128xi32, #tpu.memory_space<hbm>>
    tpu.enqueue_dma source(%dma_start3A_5 : memref<128xi32, #tpu.memory_space<hbm>>) target(%arg5 : memref<128xi32, #tpu.memory_space<vmem>>) target_semaphore(%arg15 : memref<!tpu.dma_semaphore, #tpu.memory_space<semaphore_mem>>)
    %add3A_6 = arith.constant 128 : i32
    %add3A_7 = arith.addi %mul3A_2, %add3A_6 : i32
    %dma_start3A_8 = tpu.memref_slice %arg2[%add3A_7] : memref<819200xi32, #tpu.memory_space<hbm>> -> memref<128xi32, #tpu.memory_space<hbm>>
    %dma_start3A_9 = tpu.memref_slice %arg2[%add3A_7] : memref<819200xi32, #tpu.memory_space<hbm>> -> memref<128xi32, #tpu.memory_space<hbm>>
    tpu.enqueue_dma source(%dma_start3A_9 : memref<128xi32, #tpu.memory_space<hbm>>) target(%arg6 : memref<128xi32, #tpu.memory_space<vmem>>) target_semaphore(%arg16 : memref<!tpu.dma_semaphore, #tpu.memory_space<semaphore_mem>>)
    %add3A_10 = arith.constant 256 : i32
    %add3A_11 = arith.addi %mul3A_2, %add3A_10 : i32
    %dma_start3A_12 = tpu.memref_slice %arg2[%add3A_11] : memref<819200xi32, #tpu.memory_space<hbm>> -> memref<128xi32, #tpu.memory_space<hbm>>
    %dma_start3A_13 = tpu.memref_slice %arg2[%add3A_11] : memref<819200xi32, #tpu.memory_space<hbm>> -> memref<128xi32, #tpu.memory_space<hbm>>
    tpu.enqueue_dma source(%dma_start3A_13 : memref<128xi32, #tpu.memory_space<hbm>>) target(%arg7 : memref<128xi32, #tpu.memory_space<vmem>>) target_semaphore(%arg17 : memref<!tpu.dma_semaphore, #tpu.memory_space<semaphore_mem>>)
    %add3A_14 = arith.constant 384 : i32
    %add3A_15 = arith.addi %mul3A_2, %add3A_14 : i32
    %dma_start3A_16 = tpu.memref_slice %arg2[%add3A_15] : memref<819200xi32, #tpu.memory_space<hbm>> -> memref<128xi32, #tpu.memory_space<hbm>>
    %dma_start3A_17 = tpu.memref_slice %arg2[%add3A_15] : memref<819200xi32, #tpu.memory_space<hbm>> -> memref<128xi32, #tpu.memory_space<hbm>>
    tpu.enqueue_dma source(%dma_start3A_17 : memref<128xi32, #tpu.memory_space<hbm>>) target(%arg8 : memref<128xi32, #tpu.memory_space<vmem>>) target_semaphore(%arg18 : memref<!tpu.dma_semaphore, #tpu.memory_space<semaphore_mem>>)
    %dma_wait3A = arith.constant 0 : i32
    %dma_wait3A_18 = tpu.memref_slice %arg2[%dma_wait3A] : memref<819200xi32, #tpu.memory_space<hbm>> -> memref<128xi32, #tpu.memory_space<hbm>>
    %dma_wait3A_19 = arith.constant 0 : i32
    %dma_wait3A_20 = tpu.memref_slice %arg2[%dma_wait3A_19] : memref<819200xi32, #tpu.memory_space<hbm>> -> memref<128xi32, #tpu.memory_space<hbm>>
    tpu.wait_dma2 semaphore(%arg15 : memref<!tpu.dma_semaphore, #tpu.memory_space<semaphore_mem>>) src(%dma_wait3A_20 : memref<128xi32, #tpu.memory_space<hbm>>) dst(%arg5 : memref<128xi32, #tpu.memory_space<vmem>>)
    %dma_start3A_21 = arith.constant 0 : i32
    %dma_start3A_22 = arith.constant 0 : i32
    %dma_start3A_23 = tpu.memref_slice %arg3[%dma_start3A_21, %dma_start3A_22] : memref<1000000x128xf32, #tpu.memory_space<hbm>> -> memref<1000000x128xf32, #tpu.memory_space<hbm>>
    tpu.enqueue_indirect_dma source(%dma_start3A_23 : memref<1000000x128xf32, #tpu.memory_space<hbm>>) target(%arg9 : memref<128x128xf32, #tpu.memory_space<vmem>>) offsets(%arg5 : memref<128xi32, #tpu.memory_space<vmem>>) semaphore(%arg19 : memref<!tpu.dma_semaphore, #tpu.memory_space<semaphore_mem>>)
    %dma_wait3A_24 = arith.constant 0 : i32
    %dma_wait3A_25 = tpu.memref_slice %arg2[%dma_wait3A_24] : memref<819200xi32, #tpu.memory_space<hbm>> -> memref<128xi32, #tpu.memory_space<hbm>>
    %dma_wait3A_26 = arith.constant 0 : i32
    %dma_wait3A_27 = tpu.memref_slice %arg2[%dma_wait3A_26] : memref<819200xi32, #tpu.memory_space<hbm>> -> memref<128xi32, #tpu.memory_space<hbm>>
    tpu.wait_dma2 semaphore(%arg16 : memref<!tpu.dma_semaphore, #tpu.memory_space<semaphore_mem>>) src(%dma_wait3A_27 : memref<128xi32, #tpu.memory_space<hbm>>) dst(%arg6 : memref<128xi32, #tpu.memory_space<vmem>>)
    %dma_start3A_28 = arith.constant 0 : i32
    %dma_start3A_29 = arith.constant 0 : i32
    %dma_start3A_30 = tpu.memref_slice %arg3[%dma_start3A_28, %dma_start3A_29] : memref<1000000x128xf32, #tpu.memory_space<hbm>> -> memref<1000000x128xf32, #tpu.memory_space<hbm>>
    tpu.enqueue_indirect_dma source(%dma_start3A_30 : memref<1000000x128xf32, #tpu.memory_space<hbm>>) target(%arg10 : memref<128x128xf32, #tpu.memory_space<vmem>>) offsets(%arg6 : memref<128xi32, #tpu.memory_space<vmem>>) semaphore(%arg20 : memref<!tpu.dma_semaphore, #tpu.memory_space<semaphore_mem>>)
    %dma_wait3A_31 = arith.constant 0 : i32
    %dma_wait3A_32 = tpu.memref_slice %arg2[%dma_wait3A_31] : memref<819200xi32, #tpu.memory_space<hbm>> -> memref<128xi32, #tpu.memory_space<hbm>>
    %dma_wait3A_33 = arith.constant 0 : i32
    %dma_wait3A_34 = tpu.memref_slice %arg2[%dma_wait3A_33] : memref<819200xi32, #tpu.memory_space<hbm>> -> memref<128xi32, #tpu.memory_space<hbm>>
    tpu.wait_dma2 semaphore(%arg17 : memref<!tpu.dma_semaphore, #tpu.memory_space<semaphore_mem>>) src(%dma_wait3A_34 : memref<128xi32, #tpu.memory_space<hbm>>) dst(%arg7 : memref<128xi32, #tpu.memory_space<vmem>>)
    %dma_start3A_35 = arith.constant 0 : i32
    %dma_start3A_36 = arith.constant 0 : i32
    %dma_start3A_37 = tpu.memref_slice %arg3[%dma_start3A_35, %dma_start3A_36] : memref<1000000x128xf32, #tpu.memory_space<hbm>> -> memref<1000000x128xf32, #tpu.memory_space<hbm>>
    tpu.enqueue_indirect_dma source(%dma_start3A_37 : memref<1000000x128xf32, #tpu.memory_space<hbm>>) target(%arg11 : memref<128x128xf32, #tpu.memory_space<vmem>>) offsets(%arg7 : memref<128xi32, #tpu.memory_space<vmem>>) semaphore(%arg21 : memref<!tpu.dma_semaphore, #tpu.memory_space<semaphore_mem>>)
    %add3A_38 = arith.constant 0 : i32
    %add3A_39 = arith.addi %mul3A_2, %add3A_38 : i32
    %dma_start3A_40 = arith.constant 0 : i32
    %dma_start3A_41 = tpu.memref_slice %arg4[%add3A_39, %dma_start3A_40] : memref<819200x64xf32, #tpu.memory_space<hbm>> -> memref<128x64xf32, #tpu.memory_space<hbm>>
    %dma_start3A_42 = arith.constant 0 : i32
    %dma_start3A_43 = tpu.memref_slice %arg4[%add3A_39, %dma_start3A_42] : memref<819200x64xf32, #tpu.memory_space<hbm>> -> memref<128x64xf32, #tpu.memory_space<hbm>>
    tpu.enqueue_dma source(%arg13 : memref<128x64xf32, #tpu.memory_space<vmem>>) target(%dma_start3A_43 : memref<128x64xf32, #tpu.memory_space<hbm>>) target_semaphore(%arg23 : memref<!tpu.dma_semaphore, #tpu.memory_space<semaphore_mem>>)
    %add3A_44 = arith.constant 128 : i32
    %add3A_45 = arith.addi %mul3A_2, %add3A_44 : i32
    %dma_start3A_46 = arith.constant 0 : i32
    %dma_start3A_47 = tpu.memref_slice %arg4[%add3A_45, %dma_start3A_46] : memref<819200x64xf32, #tpu.memory_space<hbm>> -> memref<128x64xf32, #tpu.memory_space<hbm>>
    %dma_start3A_48 = arith.constant 0 : i32
    %dma_start3A_49 = tpu.memref_slice %arg4[%add3A_45, %dma_start3A_48] : memref<819200x64xf32, #tpu.memory_space<hbm>> -> memref<128x64xf32, #tpu.memory_space<hbm>>
    tpu.enqueue_dma source(%arg14 : memref<128x64xf32, #tpu.memory_space<vmem>>) target(%dma_start3A_49 : memref<128x64xf32, #tpu.memory_space<hbm>>) target_semaphore(%arg24 : memref<!tpu.dma_semaphore, #tpu.memory_space<semaphore_mem>>)
    %scan3A = arith.constant 0 : i32
    %scan3A_50 = arith.constant 0 : i32
    %scan3A_51 = arith.constant 50 : i32
    %scan3A_52 = arith.addi %scan3A_50, %scan3A_51 : i32
    %scan3A_53 = arith.constant 1 : i32
    scf.for %scan3A_67 = %scan3A_50 to %scan3A_52 step %scan3A_53  : i32 {
      %mul3A_68 = arith.constant 4 : i32
      %mul3A_69 = arith.muli %scan3A_67, %mul3A_68 : i32
      %add3A_70 = arith.constant 0 : i32
      %add3A_71 = arith.addi %mul3A_69, %add3A_70 : i32
      %dma_wait3A_72 = arith.constant 0 : i32
      %dma_wait3A_73 = arith.constant 0 : i32
      %dma_wait3A_74 = tpu.memref_slice %arg3[%dma_wait3A_72, %dma_wait3A_73] : memref<1000000x128xf32, #tpu.memory_space<hbm>> -> memref<128x128xf32, #tpu.memory_space<hbm>>
      %dma_wait3A_75 = arith.constant 0 : i32
      %dma_wait3A_76 = arith.constant 0 : i32
      %dma_wait3A_77 = tpu.memref_slice %arg3[%dma_wait3A_75, %dma_wait3A_76] : memref<1000000x128xf32, #tpu.memory_space<hbm>> -> memref<128x128xf32, #tpu.memory_space<hbm>>
      tpu.wait_dma2 semaphore(%arg19 : memref<!tpu.dma_semaphore, #tpu.memory_space<semaphore_mem>>) src(%dma_wait3A_77 : memref<128x128xf32, #tpu.memory_space<hbm>>) dst(%arg9 : memref<128x128xf32, #tpu.memory_space<vmem>>)
      %dma_wait3A_78 = arith.constant 0 : i32
      %dma_wait3A_79 = arith.constant 0 : i32
      %dma_wait3A_80 = tpu.memref_slice %arg4[%dma_wait3A_78, %dma_wait3A_79] : memref<819200x64xf32, #tpu.memory_space<hbm>> -> memref<128x64xf32, #tpu.memory_space<hbm>>
      %dma_wait3A_81 = arith.constant 0 : i32
      %dma_wait3A_82 = arith.constant 0 : i32
      %dma_wait3A_83 = tpu.memref_slice %arg4[%dma_wait3A_81, %dma_wait3A_82] : memref<819200x64xf32, #tpu.memory_space<hbm>> -> memref<128x64xf32, #tpu.memory_space<hbm>>
      tpu.wait_dma2 semaphore(%arg23 : memref<!tpu.dma_semaphore, #tpu.memory_space<semaphore_mem>>) src(%arg13 : memref<128x64xf32, #tpu.memory_space<vmem>>) dst(%dma_wait3A_83 : memref<128x64xf32, #tpu.memory_space<hbm>>)
      %parallel_loop3A = arith.constant 0 : i32
      %parallel_loop3A_84 = arith.constant 128 : i32
      %parallel_loop3A_85 = arith.constant 1 : i32
      scf.for %parallel_loop3A_224 = %parallel_loop3A to %parallel_loop3A_84 step %parallel_loop3A_85  : i32 {
        %parallel_loop3A_225 = arith.index_cast %parallel_loop3A_224 : i32 to index
        %parallel_loop3A_226 = arith.constant 0 : index
        %parallel_loop3A_227 = tpu.vector_load %arg9[%parallel_loop3A_225, %parallel_loop3A_226] {strides = array<i32>} : memref<128x128xf32, #tpu.memory_space<vmem>>, vector<1x16xf32>,
        %parallel_loop3A_228 = vector.shape_cast %parallel_loop3A_227 : vector<1x16xf32> to vector<16xf32>
        %parallel_loop3A_229 = arith.constant 8.000000e+00 : f32
        %parallel_loop3A_230 = vector.broadcast %parallel_loop3A_229 : f32 to vector<16xf32>
        %parallel_loop3A_231 = arith.mulf %parallel_loop3A_228, %parallel_loop3A_230 : vector<16xf32>
        %parallel_loop3A_232 = arith.index_cast %parallel_loop3A_224 : i32 to index
        %parallel_loop3A_233 = arith.constant 0 : index
        %parallel_loop3A_234 = tpu.vector_load %arg13[%parallel_loop3A_232, %parallel_loop3A_233] {strides = array<i32>} : memref<128x64xf32, #tpu.memory_space<vmem>>, vector<1x16xf32>,
        %parallel_loop3A_235 = vector.shape_cast %parallel_loop3A_234 : vector<1x16xf32> to vector<16xf32>
        %parallel_loop3A_236 = vector.shape_cast %parallel_loop3A_231 : vector<16xf32> to vector<1x16xf32>
        tpu.vector_store %arg13[%parallel_loop3A_232, %parallel_loop3A_233], %parallel_loop3A_236 {strides = array<i32>} : memref<128x64xf32, #tpu.memory_space<vmem>>, vector<1x16xf32>,
        %parallel_loop3A_237 = arith.index_cast %parallel_loop3A_224 : i32 to index
        %parallel_loop3A_238 = arith.constant 16 : index
        %parallel_loop3A_239 = tpu.vector_load %arg9[%parallel_loop3A_237, %parallel_loop3A_238] {strides = array<i32>} : memref<128x128xf32, #tpu.memory_space<vmem>>, vector<1x16xf32>,
        %parallel_loop3A_240 = vector.shape_cast %parallel_loop3A_239 : vector<1x16xf32> to vector<16xf32>
        %parallel_loop3A_241 = arith.constant 8.000000e+00 : f32
        %parallel_loop3A_242 = vector.broadcast %parallel_loop3A_241 : f32 to vector<16xf32>
        %parallel_loop3A_243 = arith.mulf %parallel_loop3A_240, %parallel_loop3A_242 : vector<16xf32>
        %parallel_loop3A_244 = arith.index_cast %parallel_loop3A_224 : i32 to index
        %parallel_loop3A_245 = arith.constant 16 : index
        %parallel_loop3A_246 = tpu.vector_load %arg13[%parallel_loop3A_244, %parallel_loop3A_245] {strides = array<i32>} : memref<128x64xf32, #tpu.memory_space<vmem>>, vector<1x16xf32>,
        %parallel_loop3A_247 = vector.shape_cast %parallel_loop3A_246 : vector<1x16xf32> to vector<16xf32>
        %parallel_loop3A_248 = vector.shape_cast %parallel_loop3A_243 : vector<16xf32> to vector<1x16xf32>
        tpu.vector_store %arg13[%parallel_loop3A_244, %parallel_loop3A_245], %parallel_loop3A_248 {strides = array<i32>} : memref<128x64xf32, #tpu.memory_space<vmem>>, vector<1x16xf32>,
        %parallel_loop3A_249 = arith.index_cast %parallel_loop3A_224 : i32 to index
        %parallel_loop3A_250 = arith.constant 32 : index
        %parallel_loop3A_251 = tpu.vector_load %arg9[%parallel_loop3A_249, %parallel_loop3A_250] {strides = array<i32>} : memref<128x128xf32, #tpu.memory_space<vmem>>, vector<1x16xf32>,
        %parallel_loop3A_252 = vector.shape_cast %parallel_loop3A_251 : vector<1x16xf32> to vector<16xf32>
        %parallel_loop3A_253 = arith.constant 8.000000e+00 : f32
        %parallel_loop3A_254 = vector.broadcast %parallel_loop3A_253 : f32 to vector<16xf32>
        %parallel_loop3A_255 = arith.mulf %parallel_loop3A_252, %parallel_loop3A_254 : vector<16xf32>
        %parallel_loop3A_256 = arith.index_cast %parallel_loop3A_224 : i32 to index
        %parallel_loop3A_257 = arith.constant 32 : index
        %parallel_loop3A_258 = tpu.vector_load %arg13[%parallel_loop3A_256, %parallel_loop3A_257] {strides = array<i32>} : memref<128x64xf32, #tpu.memory_space<vmem>>, vector<1x16xf32>,
        %parallel_loop3A_259 = vector.shape_cast %parallel_loop3A_258 : vector<1x16xf32> to vector<16xf32>
        %parallel_loop3A_260 = vector.shape_cast %parallel_loop3A_255 : vector<16xf32> to vector<1x16xf32>
        tpu.vector_store %arg13[%parallel_loop3A_256, %parallel_loop3A_257], %parallel_loop3A_260 {strides = array<i32>} : memref<128x64xf32, #tpu.memory_space<vmem>>, vector<1x16xf32>,
        %parallel_loop3A_261 = arith.index_cast %parallel_loop3A_224 : i32 to index
        %parallel_loop3A_262 = arith.constant 48 : index
        %parallel_loop3A_263 = tpu.vector_load %arg9[%parallel_loop3A_261, %parallel_loop3A_262] {strides = array<i32>} : memref<128x128xf32, #tpu.memory_space<vmem>>, vector<1x16xf32>,
        %parallel_loop3A_264 = vector.shape_cast %parallel_loop3A_263 : vector<1x16xf32> to vector<16xf32>
        %parallel_loop3A_265 = arith.constant 8.000000e+00 : f32
        %parallel_loop3A_266 = vector.broadcast %parallel_loop3A_265 : f32 to vector<16xf32>
        %parallel_loop3A_267 = arith.mulf %parallel_loop3A_264, %parallel_loop3A_266 : vector<16xf32>
        %parallel_loop3A_268 = arith.index_cast %parallel_loop3A_224 : i32 to index
        %parallel_loop3A_269 = arith.constant 48 : index
        %parallel_loop3A_270 = tpu.vector_load %arg13[%parallel_loop3A_268, %parallel_loop3A_269] {strides = array<i32>} : memref<128x64xf32, #tpu.memory_space<vmem>>, vector<1x16xf32>,
        %parallel_loop3A_271 = vector.shape_cast %parallel_loop3A_270 : vector<1x16xf32> to vector<16xf32>
        %parallel_loop3A_272 = vector.shape_cast %parallel_loop3A_267 : vector<16xf32> to vector<1x16xf32>
        tpu.vector_store %arg13[%parallel_loop3A_268, %parallel_loop3A_269], %parallel_loop3A_272 {strides = array<i32>} : memref<128x64xf32, #tpu.memory_space<vmem>>, vector<1x16xf32>,
      } {sc.loop_unroll_factor = 8 : i64, sc.parallel_access}
      %mul3A_86 = arith.constant 128 : i32
      %mul3A_87 = arith.muli %add3A_71, %mul3A_86 : i32
      %add3A_88 = arith.addi %mul3A_2, %mul3A_87 : i32
      %dma_start3A_89 = arith.constant 0 : i32
      %dma_start3A_90 = tpu.memref_slice %arg4[%add3A_88, %dma_start3A_89] : memref<819200x64xf32, #tpu.memory_space<hbm>> -> memref<128x64xf32, #tpu.memory_space<hbm>>
      %dma_start3A_91 = arith.constant 0 : i32
      %dma_start3A_92 = tpu.memref_slice %arg4[%add3A_88, %dma_start3A_91] : memref<819200x64xf32, #tpu.memory_space<hbm>> -> memref<128x64xf32, #tpu.memory_space<hbm>>
      tpu.enqueue_dma source(%arg13 : memref<128x64xf32, #tpu.memory_space<vmem>>) target(%dma_start3A_92 : memref<128x64xf32, #tpu.memory_space<hbm>>) target_semaphore(%arg23 : memref<!tpu.dma_semaphore, #tpu.memory_space<semaphore_mem>>)
      %add3A_93 = arith.constant 4 : i32
      %add3A_94 = arith.addi %add3A_71, %add3A_93 : i32
      %lt3A = arith.constant 200 : i32
      %lt3A_95 = arith.cmpi slt, %add3A_94, %lt3A : i32
      %convert_element_type3A = arith.extui %lt3A_95 : i1 to i32
      %cond3A = arith.constant 0 : i32
      %cond3A_96 = arith.cmpi ne, %convert_element_type3A, %cond3A : i32
      scf.if %cond3A_96 {
        %add3A_224 = arith.constant 4 : i32
        %add3A_225 = arith.addi %add3A_71, %add3A_224 : i32
        %mul3A_226 = arith.constant 128 : i32
        %mul3A_227 = arith.muli %add3A_225, %mul3A_226 : i32
        %add3A_228 = arith.addi %mul3A_2, %mul3A_227 : i32
        %dma_start3A_229 = tpu.memref_slice %arg2[%add3A_228] : memref<819200xi32, #tpu.memory_space<hbm>> -> memref<128xi32, #tpu.memory_space<hbm>>
        %dma_start3A_230 = tpu.memref_slice %arg2[%add3A_228] : memref<819200xi32, #tpu.memory_space<hbm>> -> memref<128xi32, #tpu.memory_space<hbm>>
        tpu.enqueue_dma source(%dma_start3A_230 : memref<128xi32, #tpu.memory_space<hbm>>) target(%arg5 : memref<128xi32, #tpu.memory_space<vmem>>) target_semaphore(%arg15 : memref<!tpu.dma_semaphore, #tpu.memory_space<semaphore_mem>>)
      } else {
      }
      %add3A_97 = arith.constant 3 : i32
      %add3A_98 = arith.addi %add3A_71, %add3A_97 : i32
      %lt3A_99 = arith.constant 200 : i32
      %lt3A_100 = arith.cmpi slt, %add3A_98, %lt3A_99 : i32
      %convert_element_type3A_101 = arith.extui %lt3A_100 : i1 to i32
      %cond3A_102 = arith.constant 0 : i32
      %cond3A_103 = arith.cmpi ne, %convert_element_type3A_101, %cond3A_102 : i32
      scf.if %cond3A_103 {
        %dma_wait3A_224 = arith.constant 0 : i32
        %dma_wait3A_225 = tpu.memref_slice %arg2[%dma_wait3A_224] : memref<819200xi32, #tpu.memory_space<hbm>> -> memref<128xi32, #tpu.memory_space<hbm>>
        %dma_wait3A_226 = arith.constant 0 : i32
        %dma_wait3A_227 = tpu.memref_slice %arg2[%dma_wait3A_226] : memref<819200xi32, #tpu.memory_space<hbm>> -> memref<128xi32, #tpu.memory_space<hbm>>
        tpu.wait_dma2 semaphore(%arg18 : memref<!tpu.dma_semaphore, #tpu.memory_space<semaphore_mem>>) src(%dma_wait3A_227 : memref<128xi32, #tpu.memory_space<hbm>>) dst(%arg8 : memref<128xi32, #tpu.memory_space<vmem>>)
        %dma_start3A_228 = arith.constant 0 : i32
        %dma_start3A_229 = arith.constant 0 : i32
        %dma_start3A_230 = tpu.memref_slice %arg3[%dma_start3A_228, %dma_start3A_229] : memref<1000000x128xf32, #tpu.memory_space<hbm>> -> memref<1000000x128xf32, #tpu.memory_space<hbm>>
        tpu.enqueue_indirect_dma source(%dma_start3A_230 : memref<1000000x128xf32, #tpu.memory_space<hbm>>) target(%arg12 : memref<128x128xf32, #tpu.memory_space<vmem>>) offsets(%arg8 : memref<128xi32, #tpu.memory_space<vmem>>) semaphore(%arg22 : memref<!tpu.dma_semaphore, #tpu.memory_space<semaphore_mem>>)
      } else {
      }
      %mul3A_104 = arith.constant 4 : i32
      %mul3A_105 = arith.muli %scan3A_67, %mul3A_104 : i32
      %add3A_106 = arith.constant 1 : i32
      %add3A_107 = arith.addi %mul3A_105, %add3A_106 : i32
      %dma_wait3A_108 = arith.constant 0 : i32
      %dma_wait3A_109 = arith.constant 0 : i32
      %dma_wait3A_110 = tpu.memref_slice %arg3[%dma_wait3A_108, %dma_wait3A_109] : memref<1000000x128xf32, #tpu.memory_space<hbm>> -> memref<128x128xf32, #tpu.memory_space<hbm>>
      %dma_wait3A_111 = arith.constant 0 : i32
      %dma_wait3A_112 = arith.constant 0 : i32
      %dma_wait3A_113 = tpu.memref_slice %arg3[%dma_wait3A_111, %dma_wait3A_112] : memref<1000000x128xf32, #tpu.memory_space<hbm>> -> memref<128x128xf32, #tpu.memory_space<hbm>>
      tpu.wait_dma2 semaphore(%arg20 : memref<!tpu.dma_semaphore, #tpu.memory_space<semaphore_mem>>) src(%dma_wait3A_113 : memref<128x128xf32, #tpu.memory_space<hbm>>) dst(%arg10 : memref<128x128xf32, #tpu.memory_space<vmem>>)
      %dma_wait3A_114 = arith.constant 0 : i32
      %dma_wait3A_115 = arith.constant 0 : i32
      %dma_wait3A_116 = tpu.memref_slice %arg4[%dma_wait3A_114, %dma_wait3A_115] : memref<819200x64xf32, #tpu.memory_space<hbm>> -> memref<128x64xf32, #tpu.memory_space<hbm>>
      %dma_wait3A_117 = arith.constant 0 : i32
      %dma_wait3A_118 = arith.constant 0 : i32
      %dma_wait3A_119 = tpu.memref_slice %arg4[%dma_wait3A_117, %dma_wait3A_118] : memref<819200x64xf32, #tpu.memory_space<hbm>> -> memref<128x64xf32, #tpu.memory_space<hbm>>
      tpu.wait_dma2 semaphore(%arg24 : memref<!tpu.dma_semaphore, #tpu.memory_space<semaphore_mem>>) src(%arg14 : memref<128x64xf32, #tpu.memory_space<vmem>>) dst(%dma_wait3A_119 : memref<128x64xf32, #tpu.memory_space<hbm>>)
      %parallel_loop3A_120 = arith.constant 0 : i32
      %parallel_loop3A_121 = arith.constant 128 : i32
      %parallel_loop3A_122 = arith.constant 1 : i32
      scf.for %parallel_loop3A_224 = %parallel_loop3A_120 to %parallel_loop3A_121 step %parallel_loop3A_122  : i32 {
        %parallel_loop3A_225 = arith.index_cast %parallel_loop3A_224 : i32 to index
        %parallel_loop3A_226 = arith.constant 0 : index
        %parallel_loop3A_227 = tpu.vector_load %arg10[%parallel_loop3A_225, %parallel_loop3A_226] {strides = array<i32>} : memref<128x128xf32, #tpu.memory_space<vmem>>, vector<1x16xf32>,
        %parallel_loop3A_228 = vector.shape_cast %parallel_loop3A_227 : vector<1x16xf32> to vector<16xf32>
        %parallel_loop3A_229 = arith.constant 8.000000e+00 : f32
        %parallel_loop3A_230 = vector.broadcast %parallel_loop3A_229 : f32 to vector<16xf32>
        %parallel_loop3A_231 = arith.mulf %parallel_loop3A_228, %parallel_loop3A_230 : vector<16xf32>
        %parallel_loop3A_232 = arith.index_cast %parallel_loop3A_224 : i32 to index
        %parallel_loop3A_233 = arith.constant 0 : index
        %parallel_loop3A_234 = tpu.vector_load %arg14[%parallel_loop3A_232, %parallel_loop3A_233] {strides = array<i32>} : memref<128x64xf32, #tpu.memory_space<vmem>>, vector<1x16xf32>,
        %parallel_loop3A_235 = vector.shape_cast %parallel_loop3A_234 : vector<1x16xf32> to vector<16xf32>
        %parallel_loop3A_236 = vector.shape_cast %parallel_loop3A_231 : vector<16xf32> to vector<1x16xf32>
        tpu.vector_store %arg14[%parallel_loop3A_232, %parallel_loop3A_233], %parallel_loop3A_236 {strides = array<i32>} : memref<128x64xf32, #tpu.memory_space<vmem>>, vector<1x16xf32>,
        %parallel_loop3A_237 = arith.index_cast %parallel_loop3A_224 : i32 to index
        %parallel_loop3A_238 = arith.constant 16 : index
        %parallel_loop3A_239 = tpu.vector_load %arg10[%parallel_loop3A_237, %parallel_loop3A_238] {strides = array<i32>} : memref<128x128xf32, #tpu.memory_space<vmem>>, vector<1x16xf32>,
        %parallel_loop3A_240 = vector.shape_cast %parallel_loop3A_239 : vector<1x16xf32> to vector<16xf32>
        %parallel_loop3A_241 = arith.constant 8.000000e+00 : f32
        %parallel_loop3A_242 = vector.broadcast %parallel_loop3A_241 : f32 to vector<16xf32>
        %parallel_loop3A_243 = arith.mulf %parallel_loop3A_240, %parallel_loop3A_242 : vector<16xf32>
        %parallel_loop3A_244 = arith.index_cast %parallel_loop3A_224 : i32 to index
        %parallel_loop3A_245 = arith.constant 16 : index
        %parallel_loop3A_246 = tpu.vector_load %arg14[%parallel_loop3A_244, %parallel_loop3A_245] {strides = array<i32>} : memref<128x64xf32, #tpu.memory_space<vmem>>, vector<1x16xf32>,
        %parallel_loop3A_247 = vector.shape_cast %parallel_loop3A_246 : vector<1x16xf32> to vector<16xf32>
        %parallel_loop3A_248 = vector.shape_cast %parallel_loop3A_243 : vector<16xf32> to vector<1x16xf32>
        tpu.vector_store %arg14[%parallel_loop3A_244, %parallel_loop3A_245], %parallel_loop3A_248 {strides = array<i32>} : memref<128x64xf32, #tpu.memory_space<vmem>>, vector<1x16xf32>,
        %parallel_loop3A_249 = arith.index_cast %parallel_loop3A_224 : i32 to index
        %parallel_loop3A_250 = arith.constant 32 : index
        %parallel_loop3A_251 = tpu.vector_load %arg10[%parallel_loop3A_249, %parallel_loop3A_250] {strides = array<i32>} : memref<128x128xf32, #tpu.memory_space<vmem>>, vector<1x16xf32>,
        %parallel_loop3A_252 = vector.shape_cast %parallel_loop3A_251 : vector<1x16xf32> to vector<16xf32>
        %parallel_loop3A_253 = arith.constant 8.000000e+00 : f32
        %parallel_loop3A_254 = vector.broadcast %parallel_loop3A_253 : f32 to vector<16xf32>
        %parallel_loop3A_255 = arith.mulf %parallel_loop3A_252, %parallel_loop3A_254 : vector<16xf32>
        %parallel_loop3A_256 = arith.index_cast %parallel_loop3A_224 : i32 to index
        %parallel_loop3A_257 = arith.constant 32 : index
        %parallel_loop3A_258 = tpu.vector_load %arg14[%parallel_loop3A_256, %parallel_loop3A_257] {strides = array<i32>} : memref<128x64xf32, #tpu.memory_space<vmem>>, vector<1x16xf32>,
        %parallel_loop3A_259 = vector.shape_cast %parallel_loop3A_258 : vector<1x16xf32> to vector<16xf32>
        %parallel_loop3A_260 = vector.shape_cast %parallel_loop3A_255 : vector<16xf32> to vector<1x16xf32>
        tpu.vector_store %arg14[%parallel_loop3A_256, %parallel_loop3A_257], %parallel_loop3A_260 {strides = array<i32>} : memref<128x64xf32, #tpu.memory_space<vmem>>, vector<1x16xf32>,
        %parallel_loop3A_261 = arith.index_cast %parallel_loop3A_224 : i32 to index
        %parallel_loop3A_262 = arith.constant 48 : index
        %parallel_loop3A_263 = tpu.vector_load %arg10[%parallel_loop3A_261, %parallel_loop3A_262] {strides = array<i32>} : memref<128x128xf32, #tpu.memory_space<vmem>>, vector<1x16xf32>,
        %parallel_loop3A_264 = vector.shape_cast %parallel_loop3A_263 : vector<1x16xf32> to vector<16xf32>
        %parallel_loop3A_265 = arith.constant 8.000000e+00 : f32
        %parallel_loop3A_266 = vector.broadcast %parallel_loop3A_265 : f32 to vector<16xf32>
        %parallel_loop3A_267 = arith.mulf %parallel_loop3A_264, %parallel_loop3A_266 : vector<16xf32>
        %parallel_loop3A_268 = arith.index_cast %parallel_loop3A_224 : i32 to index
        %parallel_loop3A_269 = arith.constant 48 : index
        %parallel_loop3A_270 = tpu.vector_load %arg14[%parallel_loop3A_268, %parallel_loop3A_269] {strides = array<i32>} : memref<128x64xf32, #tpu.memory_space<vmem>>, vector<1x16xf32>,
        %parallel_loop3A_271 = vector.shape_cast %parallel_loop3A_270 : vector<1x16xf32> to vector<16xf32>
        %parallel_loop3A_272 = vector.shape_cast %parallel_loop3A_267 : vector<16xf32> to vector<1x16xf32>
        tpu.vector_store %arg14[%parallel_loop3A_268, %parallel_loop3A_269], %parallel_loop3A_272 {strides = array<i32>} : memref<128x64xf32, #tpu.memory_space<vmem>>, vector<1x16xf32>,
      } {sc.loop_unroll_factor = 8 : i64, sc.parallel_access}
      %mul3A_123 = arith.constant 128 : i32
      %mul3A_124 = arith.muli %add3A_107, %mul3A_123 : i32
      %add3A_125 = arith.addi %mul3A_2, %mul3A_124 : i32
      %dma_start3A_126 = arith.constant 0 : i32
      %dma_start3A_127 = tpu.memref_slice %arg4[%add3A_125, %dma_start3A_126] : memref<819200x64xf32, #tpu.memory_space<hbm>> -> memref<128x64xf32, #tpu.memory_space<hbm>>
      %dma_start3A_128 = arith.constant 0 : i32
      %dma_start3A_129 = tpu.memref_slice %arg4[%add3A_125, %dma_start3A_128] : memref<819200x64xf32, #tpu.memory_space<hbm>> -> memref<128x64xf32, #tpu.memory_space<hbm>>
      tpu.enqueue_dma source(%arg14 : memref<128x64xf32, #tpu.memory_space<vmem>>) target(%dma_start3A_129 : memref<128x64xf32, #tpu.memory_space<hbm>>) target_semaphore(%arg24 : memref<!tpu.dma_semaphore, #tpu.memory_space<semaphore_mem>>)
      %add3A_130 = arith.constant 4 : i32
      %add3A_131 = arith.addi %add3A_107, %add3A_130 : i32
      %lt3A_132 = arith.constant 200 : i32
      %lt3A_133 = arith.cmpi slt, %add3A_131, %lt3A_132 : i32
      %convert_element_type3A_134 = arith.extui %lt3A_133 : i1 to i32
      %cond3A_135 = arith.constant 0 : i32
      %cond3A_136 = arith.cmpi ne, %convert_element_type3A_134, %cond3A_135 : i32
      scf.if %cond3A_136 {
        %add3A_224 = arith.constant 4 : i32
        %add3A_225 = arith.addi %add3A_107, %add3A_224 : i32
        %mul3A_226 = arith.constant 128 : i32
        %mul3A_227 = arith.muli %add3A_225, %mul3A_226 : i32
        %add3A_228 = arith.addi %mul3A_2, %mul3A_227 : i32
        %dma_start3A_229 = tpu.memref_slice %arg2[%add3A_228] : memref<819200xi32, #tpu.memory_space<hbm>> -> memref<128xi32, #tpu.memory_space<hbm>>
        %dma_start3A_230 = tpu.memref_slice %arg2[%add3A_228] : memref<819200xi32, #tpu.memory_space<hbm>> -> memref<128xi32, #tpu.memory_space<hbm>>
        tpu.enqueue_dma source(%dma_start3A_230 : memref<128xi32, #tpu.memory_space<hbm>>) target(%arg6 : memref<128xi32, #tpu.memory_space<vmem>>) target_semaphore(%arg16 : memref<!tpu.dma_semaphore, #tpu.memory_space<semaphore_mem>>)
      } else {
      }
      %add3A_137 = arith.constant 3 : i32
      %add3A_138 = arith.addi %add3A_107, %add3A_137 : i32
      %lt3A_139 = arith.constant 200 : i32
      %lt3A_140 = arith.cmpi slt, %add3A_138, %lt3A_139 : i32
      %convert_element_type3A_141 = arith.extui %lt3A_140 : i1 to i32
      %cond3A_142 = arith.constant 0 : i32
      %cond3A_143 = arith.cmpi ne, %convert_element_type3A_141, %cond3A_142 : i32
      scf.if %cond3A_143 {
        %dma_wait3A_224 = arith.constant 0 : i32
        %dma_wait3A_225 = tpu.memref_slice %arg2[%dma_wait3A_224] : memref<819200xi32, #tpu.memory_space<hbm>> -> memref<128xi32, #tpu.memory_space<hbm>>
        %dma_wait3A_226 = arith.constant 0 : i32
        %dma_wait3A_227 = tpu.memref_slice %arg2[%dma_wait3A_226] : memref<819200xi32, #tpu.memory_space<hbm>> -> memref<128xi32, #tpu.memory_space<hbm>>
        tpu.wait_dma2 semaphore(%arg15 : memref<!tpu.dma_semaphore, #tpu.memory_space<semaphore_mem>>) src(%dma_wait3A_227 : memref<128xi32, #tpu.memory_space<hbm>>) dst(%arg5 : memref<128xi32, #tpu.memory_space<vmem>>)
        %dma_start3A_228 = arith.constant 0 : i32
        %dma_start3A_229 = arith.constant 0 : i32
        %dma_start3A_230 = tpu.memref_slice %arg3[%dma_start3A_228, %dma_start3A_229] : memref<1000000x128xf32, #tpu.memory_space<hbm>> -> memref<1000000x128xf32, #tpu.memory_space<hbm>>
        tpu.enqueue_indirect_dma source(%dma_start3A_230 : memref<1000000x128xf32, #tpu.memory_space<hbm>>) target(%arg9 : memref<128x128xf32, #tpu.memory_space<vmem>>) offsets(%arg5 : memref<128xi32, #tpu.memory_space<vmem>>) semaphore(%arg19 : memref<!tpu.dma_semaphore, #tpu.memory_space<semaphore_mem>>)
      } else {
      }
      %mul3A_144 = arith.constant 4 : i32
      %mul3A_145 = arith.muli %scan3A_67, %mul3A_144 : i32
      %add3A_146 = arith.constant 2 : i32
      %add3A_147 = arith.addi %mul3A_145, %add3A_146 : i32
      %dma_wait3A_148 = arith.constant 0 : i32
      %dma_wait3A_149 = arith.constant 0 : i32
      %dma_wait3A_150 = tpu.memref_slice %arg3[%dma_wait3A_148, %dma_wait3A_149] : memref<1000000x128xf32, #tpu.memory_space<hbm>> -> memref<128x128xf32, #tpu.memory_space<hbm>>
      %dma_wait3A_151 = arith.constant 0 : i32
      %dma_wait3A_152 = arith.constant 0 : i32
      %dma_wait3A_153 = tpu.memref_slice %arg3[%dma_wait3A_151, %dma_wait3A_152] : memref<1000000x128xf32, #tpu.memory_space<hbm>> -> memref<128x128xf32, #tpu.memory_space<hbm>>
      tpu.wait_dma2 semaphore(%arg21 : memref<!tpu.dma_semaphore, #tpu.memory_space<semaphore_mem>>) src(%dma_wait3A_153 : memref<128x128xf32, #tpu.memory_space<hbm>>) dst(%arg11 : memref<128x128xf32, #tpu.memory_space<vmem>>)
      %dma_wait3A_154 = arith.constant 0 : i32
      %dma_wait3A_155 = arith.constant 0 : i32
      %dma_wait3A_156 = tpu.memref_slice %arg4[%dma_wait3A_154, %dma_wait3A_155] : memref<819200x64xf32, #tpu.memory_space<hbm>> -> memref<128x64xf32, #tpu.memory_space<hbm>>
      %dma_wait3A_157 = arith.constant 0 : i32
      %dma_wait3A_158 = arith.constant 0 : i32
      %dma_wait3A_159 = tpu.memref_slice %arg4[%dma_wait3A_157, %dma_wait3A_158] : memref<819200x64xf32, #tpu.memory_space<hbm>> -> memref<128x64xf32, #tpu.memory_space<hbm>>
      tpu.wait_dma2 semaphore(%arg23 : memref<!tpu.dma_semaphore, #tpu.memory_space<semaphore_mem>>) src(%arg13 : memref<128x64xf32, #tpu.memory_space<vmem>>) dst(%dma_wait3A_159 : memref<128x64xf32, #tpu.memory_space<hbm>>)
      %parallel_loop3A_160 = arith.constant 0 : i32
      %parallel_loop3A_161 = arith.constant 128 : i32
      %parallel_loop3A_162 = arith.constant 1 : i32
      scf.for %parallel_loop3A_224 = %parallel_loop3A_160 to %parallel_loop3A_161 step %parallel_loop3A_162  : i32 {
        %parallel_loop3A_225 = arith.index_cast %parallel_loop3A_224 : i32 to index
        %parallel_loop3A_226 = arith.constant 0 : index
        %parallel_loop3A_227 = tpu.vector_load %arg11[%parallel_loop3A_225, %parallel_loop3A_226] {strides = array<i32>} : memref<128x128xf32, #tpu.memory_space<vmem>>, vector<1x16xf32>,
        %parallel_loop3A_228 = vector.shape_cast %parallel_loop3A_227 : vector<1x16xf32> to vector<16xf32>
        %parallel_loop3A_229 = arith.constant 8.000000e+00 : f32
        %parallel_loop3A_230 = vector.broadcast %parallel_loop3A_229 : f32 to vector<16xf32>
        %parallel_loop3A_231 = arith.mulf %parallel_loop3A_228, %parallel_loop3A_230 : vector<16xf32>
        %parallel_loop3A_232 = arith.index_cast %parallel_loop3A_224 : i32 to index
        %parallel_loop3A_233 = arith.constant 0 : index
        %parallel_loop3A_234 = tpu.vector_load %arg13[%parallel_loop3A_232, %parallel_loop3A_233] {strides = array<i32>} : memref<128x64xf32, #tpu.memory_space<vmem>>, vector<1x16xf32>,
        %parallel_loop3A_235 = vector.shape_cast %parallel_loop3A_234 : vector<1x16xf32> to vector<16xf32>
        %parallel_loop3A_236 = vector.shape_cast %parallel_loop3A_231 : vector<16xf32> to vector<1x16xf32>
        tpu.vector_store %arg13[%parallel_loop3A_232, %parallel_loop3A_233], %parallel_loop3A_236 {strides = array<i32>} : memref<128x64xf32, #tpu.memory_space<vmem>>, vector<1x16xf32>,
        %parallel_loop3A_237 = arith.index_cast %parallel_loop3A_224 : i32 to index
        %parallel_loop3A_238 = arith.constant 16 : index
        %parallel_loop3A_239 = tpu.vector_load %arg11[%parallel_loop3A_237, %parallel_loop3A_238] {strides = array<i32>} : memref<128x128xf32, #tpu.memory_space<vmem>>, vector<1x16xf32>,
        %parallel_loop3A_240 = vector.shape_cast %parallel_loop3A_239 : vector<1x16xf32> to vector<16xf32>
        %parallel_loop3A_241 = arith.constant 8.000000e+00 : f32
        %parallel_loop3A_242 = vector.broadcast %parallel_loop3A_241 : f32 to vector<16xf32>
        %parallel_loop3A_243 = arith.mulf %parallel_loop3A_240, %parallel_loop3A_242 : vector<16xf32>
        %parallel_loop3A_244 = arith.index_cast %parallel_loop3A_224 : i32 to index
        %parallel_loop3A_245 = arith.constant 16 : index
        %parallel_loop3A_246 = tpu.vector_load %arg13[%parallel_loop3A_244, %parallel_loop3A_245] {strides = array<i32>} : memref<128x64xf32, #tpu.memory_space<vmem>>, vector<1x16xf32>,
        %parallel_loop3A_247 = vector.shape_cast %parallel_loop3A_246 : vector<1x16xf32> to vector<16xf32>
        %parallel_loop3A_248 = vector.shape_cast %parallel_loop3A_243 : vector<16xf32> to vector<1x16xf32>
        tpu.vector_store %arg13[%parallel_loop3A_244, %parallel_loop3A_245], %parallel_loop3A_248 {strides = array<i32>} : memref<128x64xf32, #tpu.memory_space<vmem>>, vector<1x16xf32>,
        %parallel_loop3A_249 = arith.index_cast %parallel_loop3A_224 : i32 to index
        %parallel_loop3A_250 = arith.constant 32 : index
        %parallel_loop3A_251 = tpu.vector_load %arg11[%parallel_loop3A_249, %parallel_loop3A_250] {strides = array<i32>} : memref<128x128xf32, #tpu.memory_space<vmem>>, vector<1x16xf32>,
        %parallel_loop3A_252 = vector.shape_cast %parallel_loop3A_251 : vector<1x16xf32> to vector<16xf32>
        %parallel_loop3A_253 = arith.constant 8.000000e+00 : f32
        %parallel_loop3A_254 = vector.broadcast %parallel_loop3A_253 : f32 to vector<16xf32>
        %parallel_loop3A_255 = arith.mulf %parallel_loop3A_252, %parallel_loop3A_254 : vector<16xf32>
        %parallel_loop3A_256 = arith.index_cast %parallel_loop3A_224 : i32 to index
        %parallel_loop3A_257 = arith.constant 32 : index
        %parallel_loop3A_258 = tpu.vector_load %arg13[%parallel_loop3A_256, %parallel_loop3A_257] {strides = array<i32>} : memref<128x64xf32, #tpu.memory_space<vmem>>, vector<1x16xf32>,
        %parallel_loop3A_259 = vector.shape_cast %parallel_loop3A_258 : vector<1x16xf32> to vector<16xf32>
        %parallel_loop3A_260 = vector.shape_cast %parallel_loop3A_255 : vector<16xf32> to vector<1x16xf32>
        tpu.vector_store %arg13[%parallel_loop3A_256, %parallel_loop3A_257], %parallel_loop3A_260 {strides = array<i32>} : memref<128x64xf32, #tpu.memory_space<vmem>>, vector<1x16xf32>,
        %parallel_loop3A_261 = arith.index_cast %parallel_loop3A_224 : i32 to index
        %parallel_loop3A_262 = arith.constant 48 : index
        %parallel_loop3A_263 = tpu.vector_load %arg11[%parallel_loop3A_261, %parallel_loop3A_262] {strides = array<i32>} : memref<128x128xf32, #tpu.memory_space<vmem>>, vector<1x16xf32>,
        %parallel_loop3A_264 = vector.shape_cast %parallel_loop3A_263 : vector<1x16xf32> to vector<16xf32>
        %parallel_loop3A_265 = arith.constant 8.000000e+00 : f32
        %parallel_loop3A_266 = vector.broadcast %parallel_loop3A_265 : f32 to vector<16xf32>
        %parallel_loop3A_267 = arith.mulf %parallel_loop3A_264, %parallel_loop3A_266 : vector<16xf32>
        %parallel_loop3A_268 = arith.index_cast %parallel_loop3A_224 : i32 to index
        %parallel_loop3A_269 = arith.constant 48 : index
        %parallel_loop3A_270 = tpu.vector_load %arg13[%parallel_loop3A_268, %parallel_loop3A_269] {strides = array<i32>} : memref<128x64xf32, #tpu.memory_space<vmem>>, vector<1x16xf32>,
        %parallel_loop3A_271 = vector.shape_cast %parallel_loop3A_270 : vector<1x16xf32> to vector<16xf32>
        %parallel_loop3A_272 = vector.shape_cast %parallel_loop3A_267 : vector<16xf32> to vector<1x16xf32>
        tpu.vector_store %arg13[%parallel_loop3A_268, %parallel_loop3A_269], %parallel_loop3A_272 {strides = array<i32>} : memref<128x64xf32, #tpu.memory_space<vmem>>, vector<1x16xf32>,
      } {sc.loop_unroll_factor = 8 : i64, sc.parallel_access}
      %mul3A_163 = arith.constant 128 : i32
      %mul3A_164 = arith.muli %add3A_147, %mul3A_163 : i32
      %add3A_165 = arith.addi %mul3A_2, %mul3A_164 : i32
      %dma_start3A_166 = arith.constant 0 : i32
      %dma_start3A_167 = tpu.memref_slice %arg4[%add3A_165, %dma_start3A_166] : memref<819200x64xf32, #tpu.memory_space<hbm>> -> memref<128x64xf32, #tpu.memory_space<hbm>>
      %dma_start3A_168 = arith.constant 0 : i32
      %dma_start3A_169 = tpu.memref_slice %arg4[%add3A_165, %dma_start3A_168] : memref<819200x64xf32, #tpu.memory_space<hbm>> -> memref<128x64xf32, #tpu.memory_space<hbm>>
      tpu.enqueue_dma source(%arg13 : memref<128x64xf32, #tpu.memory_space<vmem>>) target(%dma_start3A_169 : memref<128x64xf32, #tpu.memory_space<hbm>>) target_semaphore(%arg23 : memref<!tpu.dma_semaphore, #tpu.memory_space<semaphore_mem>>)
      %add3A_170 = arith.constant 4 : i32
      %add3A_171 = arith.addi %add3A_147, %add3A_170 : i32
      %lt3A_172 = arith.constant 200 : i32
      %lt3A_173 = arith.cmpi slt, %add3A_171, %lt3A_172 : i32
      %convert_element_type3A_174 = arith.extui %lt3A_173 : i1 to i32
      %cond3A_175 = arith.constant 0 : i32
      %cond3A_176 = arith.cmpi ne, %convert_element_type3A_174, %cond3A_175 : i32
      scf.if %cond3A_176 {
        %add3A_224 = arith.constant 4 : i32
        %add3A_225 = arith.addi %add3A_147, %add3A_224 : i32
        %mul3A_226 = arith.constant 128 : i32
        %mul3A_227 = arith.muli %add3A_225, %mul3A_226 : i32
        %add3A_228 = arith.addi %mul3A_2, %mul3A_227 : i32
        %dma_start3A_229 = tpu.memref_slice %arg2[%add3A_228] : memref<819200xi32, #tpu.memory_space<hbm>> -> memref<128xi32, #tpu.memory_space<hbm>>
        %dma_start3A_230 = tpu.memref_slice %arg2[%add3A_228] : memref<819200xi32, #tpu.memory_space<hbm>> -> memref<128xi32, #tpu.memory_space<hbm>>
        tpu.enqueue_dma source(%dma_start3A_230 : memref<128xi32, #tpu.memory_space<hbm>>) target(%arg7 : memref<128xi32, #tpu.memory_space<vmem>>) target_semaphore(%arg17 : memref<!tpu.dma_semaphore, #tpu.memory_space<semaphore_mem>>)
      } else {
      }
      %add3A_177 = arith.constant 3 : i32
      %add3A_178 = arith.addi %add3A_147, %add3A_177 : i32
      %lt3A_179 = arith.constant 200 : i32
      %lt3A_180 = arith.cmpi slt, %add3A_178, %lt3A_179 : i32
      %convert_element_type3A_181 = arith.extui %lt3A_180 : i1 to i32
      %cond3A_182 = arith.constant 0 : i32
      %cond3A_183 = arith.cmpi ne, %convert_element_type3A_181, %cond3A_182 : i32
      scf.if %cond3A_183 {
        %dma_wait3A_224 = arith.constant 0 : i32
        %dma_wait3A_225 = tpu.memref_slice %arg2[%dma_wait3A_224] : memref<819200xi32, #tpu.memory_space<hbm>> -> memref<128xi32, #tpu.memory_space<hbm>>
        %dma_wait3A_226 = arith.constant 0 : i32
        %dma_wait3A_227 = tpu.memref_slice %arg2[%dma_wait3A_226] : memref<819200xi32, #tpu.memory_space<hbm>> -> memref<128xi32, #tpu.memory_space<hbm>>
        tpu.wait_dma2 semaphore(%arg16 : memref<!tpu.dma_semaphore, #tpu.memory_space<semaphore_mem>>) src(%dma_wait3A_227 : memref<128xi32, #tpu.memory_space<hbm>>) dst(%arg6 : memref<128xi32, #tpu.memory_space<vmem>>)
        %dma_start3A_228 = arith.constant 0 : i32
        %dma_start3A_229 = arith.constant 0 : i32
        %dma_start3A_230 = tpu.memref_slice %arg3[%dma_start3A_228, %dma_start3A_229] : memref<1000000x128xf32, #tpu.memory_space<hbm>> -> memref<1000000x128xf32, #tpu.memory_space<hbm>>
        tpu.enqueue_indirect_dma source(%dma_start3A_230 : memref<1000000x128xf32, #tpu.memory_space<hbm>>) target(%arg10 : memref<128x128xf32, #tpu.memory_space<vmem>>) offsets(%arg6 : memref<128xi32, #tpu.memory_space<vmem>>) semaphore(%arg20 : memref<!tpu.dma_semaphore, #tpu.memory_space<semaphore_mem>>)
      } else {
      }
      %mul3A_184 = arith.constant 4 : i32
      %mul3A_185 = arith.muli %scan3A_67, %mul3A_184 : i32
      %add3A_186 = arith.constant 3 : i32
      %add3A_187 = arith.addi %mul3A_185, %add3A_186 : i32
      %dma_wait3A_188 = arith.constant 0 : i32
      %dma_wait3A_189 = arith.constant 0 : i32
      %dma_wait3A_190 = tpu.memref_slice %arg3[%dma_wait3A_188, %dma_wait3A_189] : memref<1000000x128xf32, #tpu.memory_space<hbm>> -> memref<128x128xf32, #tpu.memory_space<hbm>>
      %dma_wait3A_191 = arith.constant 0 : i32
      %dma_wait3A_192 = arith.constant 0 : i32
      %dma_wait3A_193 = tpu.memref_slice %arg3[%dma_wait3A_191, %dma_wait3A_192] : memref<1000000x128xf32, #tpu.memory_space<hbm>> -> memref<128x128xf32, #tpu.memory_space<hbm>>
      tpu.wait_dma2 semaphore(%arg22 : memref<!tpu.dma_semaphore, #tpu.memory_space<semaphore_mem>>) src(%dma_wait3A_193 : memref<128x128xf32, #tpu.memory_space<hbm>>) dst(%arg12 : memref<128x128xf32, #tpu.memory_space<vmem>>)
      %dma_wait3A_194 = arith.constant 0 : i32
      %dma_wait3A_195 = arith.constant 0 : i32
      %dma_wait3A_196 = tpu.memref_slice %arg4[%dma_wait3A_194, %dma_wait3A_195] : memref<819200x64xf32, #tpu.memory_space<hbm>> -> memref<128x64xf32, #tpu.memory_space<hbm>>
      %dma_wait3A_197 = arith.constant 0 : i32
      %dma_wait3A_198 = arith.constant 0 : i32
      %dma_wait3A_199 = tpu.memref_slice %arg4[%dma_wait3A_197, %dma_wait3A_198] : memref<819200x64xf32, #tpu.memory_space<hbm>> -> memref<128x64xf32, #tpu.memory_space<hbm>>
      tpu.wait_dma2 semaphore(%arg24 : memref<!tpu.dma_semaphore, #tpu.memory_space<semaphore_mem>>) src(%arg14 : memref<128x64xf32, #tpu.memory_space<vmem>>) dst(%dma_wait3A_199 : memref<128x64xf32, #tpu.memory_space<hbm>>)
      %parallel_loop3A_200 = arith.constant 0 : i32
      %parallel_loop3A_201 = arith.constant 128 : i32
      %parallel_loop3A_202 = arith.constant 1 : i32
      scf.for %parallel_loop3A_224 = %parallel_loop3A_200 to %parallel_loop3A_201 step %parallel_loop3A_202  : i32 {
        %parallel_loop3A_225 = arith.index_cast %parallel_loop3A_224 : i32 to index
        %parallel_loop3A_226 = arith.constant 0 : index
        %parallel_loop3A_227 = tpu.vector_load %arg12[%parallel_loop3A_225, %parallel_loop3A_226] {strides = array<i32>} : memref<128x128xf32, #tpu.memory_space<vmem>>, vector<1x16xf32>,
        %parallel_loop3A_228 = vector.shape_cast %parallel_loop3A_227 : vector<1x16xf32> to vector<16xf32>
        %parallel_loop3A_229 = arith.constant 8.000000e+00 : f32
        %parallel_loop3A_230 = vector.broadcast %parallel_loop3A_229 : f32 to vector<16xf32>
        %parallel_loop3A_231 = arith.mulf %parallel_loop3A_228, %parallel_loop3A_230 : vector<16xf32>
        %parallel_loop3A_232 = arith.index_cast %parallel_loop3A_224 : i32 to index
        %parallel_loop3A_233 = arith.constant 0 : index
        %parallel_loop3A_234 = tpu.vector_load %arg14[%parallel_loop3A_232, %parallel_loop3A_233] {strides = array<i32>} : memref<128x64xf32, #tpu.memory_space<vmem>>, vector<1x16xf32>,
        %parallel_loop3A_235 = vector.shape_cast %parallel_loop3A_234 : vector<1x16xf32> to vector<16xf32>
        %parallel_loop3A_236 = vector.shape_cast %parallel_loop3A_231 : vector<16xf32> to vector<1x16xf32>
        tpu.vector_store %arg14[%parallel_loop3A_232, %parallel_loop3A_233], %parallel_loop3A_236 {strides = array<i32>} : memref<128x64xf32, #tpu.memory_space<vmem>>, vector<1x16xf32>,
        %parallel_loop3A_237 = arith.index_cast %parallel_loop3A_224 : i32 to index
        %parallel_loop3A_238 = arith.constant 16 : index
        %parallel_loop3A_239 = tpu.vector_load %arg12[%parallel_loop3A_237, %parallel_loop3A_238] {strides = array<i32>} : memref<128x128xf32, #tpu.memory_space<vmem>>, vector<1x16xf32>,
        %parallel_loop3A_240 = vector.shape_cast %parallel_loop3A_239 : vector<1x16xf32> to vector<16xf32>
        %parallel_loop3A_241 = arith.constant 8.000000e+00 : f32
        %parallel_loop3A_242 = vector.broadcast %parallel_loop3A_241 : f32 to vector<16xf32>
        %parallel_loop3A_243 = arith.mulf %parallel_loop3A_240, %parallel_loop3A_242 : vector<16xf32>
        %parallel_loop3A_244 = arith.index_cast %parallel_loop3A_224 : i32 to index
        %parallel_loop3A_245 = arith.constant 16 : index
        %parallel_loop3A_246 = tpu.vector_load %arg14[%parallel_loop3A_244, %parallel_loop3A_245] {strides = array<i32>} : memref<128x64xf32, #tpu.memory_space<vmem>>, vector<1x16xf32>,
        %parallel_loop3A_247 = vector.shape_cast %parallel_loop3A_246 : vector<1x16xf32> to vector<16xf32>
        %parallel_loop3A_248 = vector.shape_cast %parallel_loop3A_243 : vector<16xf32> to vector<1x16xf32>
        tpu.vector_store %arg14[%parallel_loop3A_244, %parallel_loop3A_245], %parallel_loop3A_248 {strides = array<i32>} : memref<128x64xf32, #tpu.memory_space<vmem>>, vector<1x16xf32>,
        %parallel_loop3A_249 = arith.index_cast %parallel_loop3A_224 : i32 to index
        %parallel_loop3A_250 = arith.constant 32 : index
        %parallel_loop3A_251 = tpu.vector_load %arg12[%parallel_loop3A_249, %parallel_loop3A_250] {strides = array<i32>} : memref<128x128xf32, #tpu.memory_space<vmem>>, vector<1x16xf32>,
        %parallel_loop3A_252 = vector.shape_cast %parallel_loop3A_251 : vector<1x16xf32> to vector<16xf32>
        %parallel_loop3A_253 = arith.constant 8.000000e+00 : f32
        %parallel_loop3A_254 = vector.broadcast %parallel_loop3A_253 : f32 to vector<16xf32>
        %parallel_loop3A_255 = arith.mulf %parallel_loop3A_252, %parallel_loop3A_254 : vector<16xf32>
        %parallel_loop3A_256 = arith.index_cast %parallel_loop3A_224 : i32 to index
        %parallel_loop3A_257 = arith.constant 32 : index
        %parallel_loop3A_258 = tpu.vector_load %arg14[%parallel_loop3A_256, %parallel_loop3A_257] {strides = array<i32>} : memref<128x64xf32, #tpu.memory_space<vmem>>, vector<1x16xf32>,
        %parallel_loop3A_259 = vector.shape_cast %parallel_loop3A_258 : vector<1x16xf32> to vector<16xf32>
        %parallel_loop3A_260 = vector.shape_cast %parallel_loop3A_255 : vector<16xf32> to vector<1x16xf32>
        tpu.vector_store %arg14[%parallel_loop3A_256, %parallel_loop3A_257], %parallel_loop3A_260 {strides = array<i32>} : memref<128x64xf32, #tpu.memory_space<vmem>>, vector<1x16xf32>,
        %parallel_loop3A_261 = arith.index_cast %parallel_loop3A_224 : i32 to index
        %parallel_loop3A_262 = arith.constant 48 : index
        %parallel_loop3A_263 = tpu.vector_load %arg12[%parallel_loop3A_261, %parallel_loop3A_262] {strides = array<i32>} : memref<128x128xf32, #tpu.memory_space<vmem>>, vector<1x16xf32>,
        %parallel_loop3A_264 = vector.shape_cast %parallel_loop3A_263 : vector<1x16xf32> to vector<16xf32>
        %parallel_loop3A_265 = arith.constant 8.000000e+00 : f32
        %parallel_loop3A_266 = vector.broadcast %parallel_loop3A_265 : f32 to vector<16xf32>
        %parallel_loop3A_267 = arith.mulf %parallel_loop3A_264, %parallel_loop3A_266 : vector<16xf32>
        %parallel_loop3A_268 = arith.index_cast %parallel_loop3A_224 : i32 to index
        %parallel_loop3A_269 = arith.constant 48 : index
        %parallel_loop3A_270 = tpu.vector_load %arg14[%parallel_loop3A_268, %parallel_loop3A_269] {strides = array<i32>} : memref<128x64xf32, #tpu.memory_space<vmem>>, vector<1x16xf32>,
        %parallel_loop3A_271 = vector.shape_cast %parallel_loop3A_270 : vector<1x16xf32> to vector<16xf32>
        %parallel_loop3A_272 = vector.shape_cast %parallel_loop3A_267 : vector<16xf32> to vector<1x16xf32>
        tpu.vector_store %arg14[%parallel_loop3A_268, %parallel_loop3A_269], %parallel_loop3A_272 {strides = array<i32>} : memref<128x64xf32, #tpu.memory_space<vmem>>, vector<1x16xf32>,
      } {sc.loop_unroll_factor = 8 : i64, sc.parallel_access}
      %mul3A_203 = arith.constant 128 : i32
      %mul3A_204 = arith.muli %add3A_187, %mul3A_203 : i32
      %add3A_205 = arith.addi %mul3A_2, %mul3A_204 : i32
      %dma_start3A_206 = arith.constant 0 : i32
      %dma_start3A_207 = tpu.memref_slice %arg4[%add3A_205, %dma_start3A_206] : memref<819200x64xf32, #tpu.memory_space<hbm>> -> memref<128x64xf32, #tpu.memory_space<hbm>>
      %dma_start3A_208 = arith.constant 0 : i32
      %dma_start3A_209 = tpu.memref_slice %arg4[%add3A_205, %dma_start3A_208] : memref<819200x64xf32, #tpu.memory_space<hbm>> -> memref<128x64xf32, #tpu.memory_space<hbm>>
      tpu.enqueue_dma source(%arg14 : memref<128x64xf32, #tpu.memory_space<vmem>>) target(%dma_start3A_209 : memref<128x64xf32, #tpu.memory_space<hbm>>) target_semaphore(%arg24 : memref<!tpu.dma_semaphore, #tpu.memory_space<semaphore_mem>>)
      %add3A_210 = arith.constant 4 : i32
      %add3A_211 = arith.addi %add3A_187, %add3A_210 : i32
      %lt3A_212 = arith.constant 200 : i32
      %lt3A_213 = arith.cmpi slt, %add3A_211, %lt3A_212 : i32
      %convert_element_type3A_214 = arith.extui %lt3A_213 : i1 to i32
      %cond3A_215 = arith.constant 0 : i32
      %cond3A_216 = arith.cmpi ne, %convert_element_type3A_214, %cond3A_215 : i32
      scf.if %cond3A_216 {
        %add3A_224 = arith.constant 4 : i32
        %add3A_225 = arith.addi %add3A_187, %add3A_224 : i32
        %mul3A_226 = arith.constant 128 : i32
        %mul3A_227 = arith.muli %add3A_225, %mul3A_226 : i32
        %add3A_228 = arith.addi %mul3A_2, %mul3A_227 : i32
        %dma_start3A_229 = tpu.memref_slice %arg2[%add3A_228] : memref<819200xi32, #tpu.memory_space<hbm>> -> memref<128xi32, #tpu.memory_space<hbm>>
        %dma_start3A_230 = tpu.memref_slice %arg2[%add3A_228] : memref<819200xi32, #tpu.memory_space<hbm>> -> memref<128xi32, #tpu.memory_space<hbm>>
        tpu.enqueue_dma source(%dma_start3A_230 : memref<128xi32, #tpu.memory_space<hbm>>) target(%arg8 : memref<128xi32, #tpu.memory_space<vmem>>) target_semaphore(%arg18 : memref<!tpu.dma_semaphore, #tpu.memory_space<semaphore_mem>>)
      } else {
      }
      %add3A_217 = arith.constant 3 : i32
      %add3A_218 = arith.addi %add3A_187, %add3A_217 : i32
      %lt3A_219 = arith.constant 200 : i32
      %lt3A_220 = arith.cmpi slt, %add3A_218, %lt3A_219 : i32
      %convert_element_type3A_221 = arith.extui %lt3A_220 : i1 to i32
      %cond3A_222 = arith.constant 0 : i32
      %cond3A_223 = arith.cmpi ne, %convert_element_type3A_221, %cond3A_222 : i32
      scf.if %cond3A_223 {
        %dma_wait3A_224 = arith.constant 0 : i32
        %dma_wait3A_225 = tpu.memref_slice %arg2[%dma_wait3A_224] : memref<819200xi32, #tpu.memory_space<hbm>> -> memref<128xi32, #tpu.memory_space<hbm>>
        %dma_wait3A_226 = arith.constant 0 : i32
        %dma_wait3A_227 = tpu.memref_slice %arg2[%dma_wait3A_226] : memref<819200xi32, #tpu.memory_space<hbm>> -> memref<128xi32, #tpu.memory_space<hbm>>
        tpu.wait_dma2 semaphore(%arg17 : memref<!tpu.dma_semaphore, #tpu.memory_space<semaphore_mem>>) src(%dma_wait3A_227 : memref<128xi32, #tpu.memory_space<hbm>>) dst(%arg7 : memref<128xi32, #tpu.memory_space<vmem>>)
        %dma_start3A_228 = arith.constant 0 : i32
        %dma_start3A_229 = arith.constant 0 : i32
        %dma_start3A_230 = tpu.memref_slice %arg3[%dma_start3A_228, %dma_start3A_229] : memref<1000000x128xf32, #tpu.memory_space<hbm>> -> memref<1000000x128xf32, #tpu.memory_space<hbm>>
        tpu.enqueue_indirect_dma source(%dma_start3A_230 : memref<1000000x128xf32, #tpu.memory_space<hbm>>) target(%arg11 : memref<128x128xf32, #tpu.memory_space<vmem>>) offsets(%arg7 : memref<128xi32, #tpu.memory_space<vmem>>) semaphore(%arg21 : memref<!tpu.dma_semaphore, #tpu.memory_space<semaphore_mem>>)
      } else {
      }
    }
    %scan3A_54 = arith.constant 50 : i32
    %dma_wait3A_55 = arith.constant 0 : i32
    %dma_wait3A_56 = arith.constant 0 : i32
    %dma_wait3A_57 = tpu.memref_slice %arg4[%dma_wait3A_55, %dma_wait3A_56] : memref<819200x64xf32, #tpu.memory_space<hbm>> -> memref<128x64xf32, #tpu.memory_space<hbm>>
    %dma_wait3A_58 = arith.constant 0 : i32
    %dma_wait3A_59 = arith.constant 0 : i32
    %dma_wait3A_60 = tpu.memref_slice %arg4[%dma_wait3A_58, %dma_wait3A_59] : memref<819200x64xf32, #tpu.memory_space<hbm>> -> memref<128x64xf32, #tpu.memory_space<hbm>>
    tpu.wait_dma2 semaphore(%arg23 : memref<!tpu.dma_semaphore, #tpu.memory_space<semaphore_mem>>) src(%arg13 : memref<128x64xf32, #tpu.memory_space<vmem>>) dst(%dma_wait3A_60 : memref<128x64xf32, #tpu.memory_space<hbm>>)
    %dma_wait3A_61 = arith.constant 0 : i32
    %dma_wait3A_62 = arith.constant 0 : i32
    %dma_wait3A_63 = tpu.memref_slice %arg4[%dma_wait3A_61, %dma_wait3A_62] : memref<819200x64xf32, #tpu.memory_space<hbm>> -> memref<128x64xf32, #tpu.memory_space<hbm>>
    %dma_wait3A_64 = arith.constant 0 : i32
    %dma_wait3A_65 = arith.constant 0 : i32
    %dma_wait3A_66 = tpu.memref_slice %arg4[%dma_wait3A_64, %dma_wait3A_65] : memref<819200x64xf32, #tpu.memory_space<hbm>> -> memref<128x64xf32, #tpu.memory_space<hbm>>
    tpu.wait_dma2 semaphore(%arg24 : memref<!tpu.dma_semaphore, #tpu.memory_space<semaphore_mem>>) src(%arg14 : memref<128x64xf32, #tpu.memory_space<vmem>>) dst(%dma_wait3A_66 : memref<128x64xf32, #tpu.memory_space<hbm>>)
    return
  }
}

</mosaic_0001>

<sc_bundles>
// kernel: kernel.3.cloned.1.call-start
scs
__scs_entry_jumppad:
0x0: {  	(pc) =	sbr.rel $0x88, $3  }
0x1: {  	(tag) =	ssettag $0x0;
	lr =	simm.s32 $0x1  }
0x2: {  	[smem:$0x3F9F] =	sst lr;
	_ =	strace $0xD0000000  }
0x3: {  	_ = 	snop  }
0x4: {  	_ = 	snop  }
0x5: {  	_ = 	snop  }
0x6: {  	_ = 	snop  }
0x7: {  	_ = 	snop  }
__scs_overlays_trampoline_lowered:
0x8: {  	[smem:$0x3FAE] =	sst s0  }
0x9: {  	[smem:$0x3FAF] =	sst s1  }
0xa: {  	[smem:$0x3FB0] =	sst s2  }
0xb: {  	[smem:$0x3FB1] =	sst s3  }
0xc: {  	[smem:$0x3FB2] =	sst s4  }
0xd: {  	[smem:$0x3FB3] =	sst s5  }
0xe: {  	[smem:$0x3FB4] =	sst s6  }
0xf: {  	[smem:$0x3FB5] =	sst s7  }
0x10: {  	[smem:$0x3FB6] =	sst s8  }
0x11: {  	[smem:$0x3FB7] =	sst s9;
	s0 =	simm.s32 @!p0 $0x0  }
0x12: {  	s1 =	sld [smem:$0x3F9D];
	s0 =	simm.s32 @p0 $0x1  }
0x13: {  	[smem:$0x3FB8] =	sst s0;
	s0 =	simm.s32 @!p1 $0x0  }
0x14: {  	s2 =	sld [smem:$0x3F9C];
	s0 =	simm.s32 @p1 $0x1  }
0x15: {  	[smem:$0x3FB9] =	sst s0;
	s0 =	simm.s32 @!p2 $0x0  }
0x16: {  	s3 =	sld [smem:$0x3FDB];
	s0 =	simm.s32 @p2 $0x1  }
0x17: {  	s4 =	simm.s32 $0x1BF5;
	[smem:$0x3FBB] =	sst s0  }
0x18: {  	s0 =	sld [smem:$0x3F9E];
	_ =	swait.ge [sflag:s4], $0x0  }
0x19: {  	s7 =	sld [smem:$0x3F9F]  }
0x1a: {  	s8 =	sadd.s32 $0xFFFFE003, lr  }
0x1b: {  	s9 =	sadd.s32 $0xFFFFFEF7, lr;
	s5 =	simm.s32 $0xFFFFFFFF;
	p2 =	slt.u32 s8, $0xFFFFF086  }
0x1c: {  	p1 =	slt.u32 s9, $0xF7A;
	s5 =	simm.s32 @!p2 $0x0  }
0x1d: {  	s5 =	simm.s32 @p1 $0x1;
	p0 =	seq.s32 s7, s2  }
0x1e: {  	s7 =	smul.u32 @!p0 $0xF7A, s2;
	p2 =	seq.s32 @!p0 s5, $0x0  }
0x1f: {  	s9 =	smul.u32 $0xF7A, s1;
	s8 =	simm.s32 @!p0 $0x1BF5;
	p2 =	por !p2, p0  }
0x20: {  	[sflag:s8] =	ssyncset.s32 @!p0 $0xFFFFF086;
	s6 =	sadd.s32 @!p0 s3, s7;
	s7 =	simm.s32 @!p0 $0x108  }
0x21: {  	s3 =	sadd.s32 s3, s9;
	s6 =	sadd.s32 @!p0 $0x88, s6;
	s7 =	simm.s32 @p2 $0x1082  }
0x22: {  	[simem:s7], [sflag:s8] =	dma.local @!p0 [hbm:s6], $0xF7A  }
0x23: {  	s9 =	sor.u32 $0xD0000000, s2;
	s6 =	simm.s32 $0x108;
	_ =	swait.ge @!p0 [sflag:s8], $0x0  }
0x24: {  	s3 =	sadd.s32 $0x88, s3;
	s6 =	simm.s32 @!p1 $0x1082;
	[sflag:s4] =	ssyncset.s32 $0xFFFFF086  }
0x25: {  	[simem:s6], [sflag:s4] =	dma.local [hbm:s3], $0xF7A  }
0x26: {  	[smem:$0x3F9F] =	sst s1;
	(tag) =	ssettag s2;
	_ =	strace s9  }
0x27: {  	s1 =	sld [smem:$0x3FAF]  }
0x28: {  	s2 =	sld [smem:$0x3FB0]  }
0x29: {  	s4 =	sld [smem:$0x3FB2]  }
0x2a: {  	p0 =	seq.s32 s5, $0x0;
	s5 =	sld [smem:$0x3FB3]  }
0x2b: {  	s6 =	sld [smem:$0x3FB4]  }
0x2c: {  	s7 =	sld [smem:$0x3FB5]  }
0x2d: {  	s3 =	simm.s32 $0x108;
	s8 =	sld [smem:$0x3FB6]  }
0x2e: {  	s3 =	simm.s32 @!p0 $0x1082;
	s9 =	sld [smem:$0x3FB7]  }
0x2f: {  	lr =	sadd.s32 s0, s3;
	s0 =	sld [smem:$0x3FAE]  }
0x30: {  	s3 =	sld [smem:$0x3FB1]  }
0x31: {  	[smem:$0x3FBA] =	sst s10  }
0x32: {  	s10 =	sld [smem:$0x3FB8];
	_ =	sdelay $0x3  }
0x33: {  	p0 =	seq.s32 s10, $0x1;
	s10 =	sld [smem:$0x3FBA];
	_ =	sdelay $0x3  }
0x34: {  	[smem:$0x3FBA] =	sst s10  }
0x35: {  	s10 =	sld [smem:$0x3FB9];
	_ =	sdelay $0x3  }
0x36: {  	p1 =	seq.s32 s10, $0x1;
	s10 =	sld [smem:$0x3FBA];
	_ =	sdelay $0x3  }
0x37: {  	[smem:$0x3FBA] =	sst s10  }
0x38: {  	s10 =	sld [smem:$0x3FBB]  }
0x39: {  	_ = 	snop;
	(pc) =	sbr.ind lr, $3  }
0x3a: {  	_ = 	snop  }
0x3b: {  	_ = 	snop  }
0x3c: {  	p2 =	seq.s32 s10, $0x1;
	s10 =	sld [smem:$0x3FBA]  }
0x3d: {  	_ =	shalt  }
0x3e: {  	_ =	shalt  }
0x3f: {  	_ =	shalt  }
0x40: {  	_ =	shalt  }
0x41: {  	_ =	shalt  }
0x42: {  	_ =	shalt  }
0x43: {  	_ =	shalt  }
0x44: {  	_ =	shalt  }
0x45: {  	_ =	shalt  }
0x46: {  	_ =	shalt  }
0x47: {  	_ =	shalt  }
0x48: {  	_ =	shalt  }
0x49: {  	_ =	shalt  }
0x4a: {  	_ =	shalt  }
0x4b: {  	_ =	shalt  }
0x4c: {  	_ =	shalt  }
0x4d: {  	_ =	shalt  }
0x4e: {  	_ =	shalt  }
0x4f: {  	_ =	shalt  }
0x50: {  	_ =	shalt  }
0x51: {  	_ =	shalt  }
0x52: {  	_ =	shalt  }
0x53: {  	_ =	shalt  }
0x54: {  	_ =	shalt  }
0x55: {  	_ =	shalt  }
0x56: {  	_ =	shalt  }
0x57: {  	_ =	shalt  }
0x58: {  	_ =	shalt  }
0x59: {  	_ =	shalt  }
0x5a: {  	_ =	shalt  }
0x5b: {  	_ =	shalt  }
0x5c: {  	_ =	shalt  }
0x5d: {  	_ =	shalt  }
0x5e: {  	_ =	shalt  }
0x5f: {  	_ =	shalt  }
0x60: {  	_ =	shalt  }
0x61: {  	_ =	shalt  }
0x62: {  	_ =	shalt  }
0x63: {  	_ =	shalt  }
0x64: {  	_ =	shalt  }
0x65: {  	_ =	shalt  }
0x66: {  	_ =	shalt  }
0x67: {  	_ =	shalt  }
0x68: {  	_ =	shalt  }
0x69: {  	_ =	shalt  }
0x6a: {  	_ =	shalt  }
0x6b: {  	_ =	shalt  }
0x6c: {  	_ =	shalt  }
0x6d: {  	_ =	shalt  }
0x6e: {  	_ =	shalt  }
0x6f: {  	_ =	shalt  }
0x70: {  	_ =	shalt  }
0x71: {  	_ =	shalt  }
0x72: {  	_ =	shalt  }
0x73: {  	_ =	shalt  }
0x74: {  	_ =	shalt  }
0x75: {  	_ =	shalt  }
0x76: {  	_ =	shalt  }
0x77: {  	_ =	shalt  }
0x78: {  	_ =	shalt  }
0x79: {  	_ =	shalt  }
0x7a: {  	_ =	shalt  }
0x7b: {  	_ =	shalt  }
0x7c: {  	_ =	shalt  }
0x7d: {  	_ =	shalt  }
0x7e: {  	_ =	shalt  }
0x7f: {  	_ =	shalt  }
0x80: {  	_ =	shalt  }
0x81: {  	_ =	shalt  }
0x82: {  	_ =	shalt  }
0x83: {  	_ =	shalt  }
0x84: {  	_ =	shalt  }
0x85: {  	_ =	shalt  }
0x86: {  	_ =	shalt  }
0x87: {  	_ =	shalt  }
.Lfunc_end0:
.L_simem_size_0:
called_computation.1_lowered:
.L_overlay_start_0:
0x88: {  	s2 =	sld [smem:$0x3FD9]  }
0x89: {  	s3 =	sld [smem:$0x3FFE];
	_ =	sdelay $0x1  }
0x8a: {  	s1 =	srdreg.scid  }
0x8b: {  	s0 =	sand.u32 $0x1, s1  }
0x8c: {  	s17 =	sshll.u32 s0, $0xA;
	s2 =	sadd.s32 s3, s2  }
0x8d: {  	s2 =	sadd.s32 s2, s17  }
0x8e: {  	[smem:$0x3FC6] =	sst s2  }
0x8f: {  	_ = 	snop  }
0x90: {  	s2 =	sld [smem:$0x3FD0];
	(tm) =	ssettm $0x1  }
0x91: {  	s18 =	sld [smem:$0x3FFB];
	_ =	sdelay $0x3  }
0x92: {  	_ =	strace s18  }
0x93: {  	s3 =	sld [smem:$0x3FFC];
	_ =	sdelay $0x3  }
0x94: {  	_ =	strace s3  }
0x95: {  	s3 =	sld [smem:$0x3FFD];
	_ =	sdelay $0x3  }
0x96: {  	_ =	strace s3  }
0x97: {  	_ =	strace $0x8FFFFFFF  }
0x98: {  	s19 =	sld [smem:$0x3FDB];
	_ =	sdelay $0x1  }
0x99: {  	s4 =	simm.s32 $_scs_section_size  }
0x9a: {  	s5 =	simm.s32 $_size__tile_overlayer_lowered;
	s6 =	simm.s32 $_tile_overlayer_lowered  }
0x9b: {  	s22 =	simm.s32 $0x1BFF;
	s21 =	sshll.u32 s6, $0x1;
	s3 =	sadd.s32 s4, s19  }
0x9c: {  	s7 =	simm.s32 $0x0;
	s20 =	sshll.u32 s5, $0x1;
	s5 =	sadd.s32 s21, s3  }
0x9d: {  	[timem:s7], [sflag:s22] =	dma.local [hbm:s5], s20  }
0x9e: {  	_ =	swait.ge [sflag:s22], s20  }
0x9f: {  	s4 =	ssub.s32 $0x0, s20;
	[sflag:s22] =	ssyncset.done $0x0  }
0xa0: {  	[sflag:s22] =	ssyncadd.s32 s4;
	_ =	sdelay $0x1  }
0xa1: {  	s23 =	simm.s32 $0x1B8B  }
0xa2: {  	_ =	swait.ge [sflag:s23], $0x1  }
0xa3: {  	[sflag:s23] =	ssyncset.done $0x0  }
0xa4: {  	s25 =	simm.s32 $0x1B8E;
	s24 =	sld [smem:$0x3FFE];
	[sflag:s23] =	ssyncadd.s32 $0xFFFFFFFF  }
0xa5: {  	s26 =	simm.s32 $execute0_lowered;
	[smem:$0x3FD2] =	sst s25  }
0xa6: {  	s5 =	sshll.u32 s26, $0x1;
	_ =	strace $0x80000046;
	[dreg:$0x1] =	wrdreg $0xFFFFFFFF  }
0xa7: {  	s28 =	simm.s32 $_size_execute0_lowered;
	s3 =	sadd.s32 s3, s5;
	[dreg:$0x0] =	wrdreg $0x0  }
0xa8: {  	s5 =	sshll.u32 s28, $0x1;
	[dreg:$0x2] =	wrdreg s3  }
0xa9: {  	[dreg:$0x3] =	wrdreg s5  }
0xaa: {  	[dreg:$0x4] =	wrdreg $0xC0  }
0xab: {  	_ =	task [dreg:s7], $0x5FFFF  }
0xac: {  	[dreg:$0x1] =	wrdreg $0xFFFFFFFF  }
0xad: {  	[dreg:$0x0] =	wrdreg $0x60  }
0xae: {  	[dreg:$0x2] =	wrdreg s2  }
0xaf: {  	[dreg:$0x3] =	wrdreg s24  }
0xb0: {  	[dreg:$0x4] =	wrdreg $0x9  }
0xb1: {  	_ =	task.clear_ibuf [dreg:s7], $0x5FFFF;
	_ =	strace $0x90000046  }
0xb2: {  	s29 =	simm.s32 $0x9;
	_ =	strace $0x80000048  }
0xb3: {  	_ =	swait.ge [sflag:s29], $0x1  }
0xb4: {  	[sflag:s29] =	ssyncadd.s32 $0xFFFFFFFF  }
0xb5: {  	_ =	strace $0x90000048  }
0xb6: {  	_ =	sfence  }
0xb7: {  	s30 =	sld [smem:$0x0];
	_ =	sdelay $0x2  }
0xb8: {  	s31 =	sshll.u32 s1, $0xD;
	s1 =	sshrl.u32 s1, $0x2  }
0xb9: {  	s3 =	sand.u32 $0x4000, s31;
	s1 =	sadd.s32 s1, s30  }
0xba: {  	s0 =	sor.u32 s3, s0;
	s1 =	sshll.u32 s1, $0x11  }
0xbb: {  	s0 =	sor.u32 s1, s0  }
0xbc: {  	s0 =	sadd.s32 $0x8F2B, s0  }
0xbd: {  	[sflag:s0] =	ssyncadd.remote.s32 $0x1  }
0xbe: {  	_ =	sfence.sel $0xFFFF  }
0xbf: {  	[dreg:$0x0] =	wrdreg $0xFFFFFFFF;
	(pc) =	sbr.abs _section_cstart, $3  }
0xc0: {  	[dreg:$0x1] =	wrdreg $0xFFFFFFFF  }
0xc1: {  	_ =	task.clear_ibuf [dreg:s7], $0x2FFFF;
	_ =	strace $0x9FFFFFFF  }
0xc2: {  	(tm) =	ssettm $0x7FFFFFFF  }
0xc3: {  	_ =	shalt  }
tec
execute0_lowered:
.L_overlay_start_1:
0x0: {  	(tag) =	ssettag $0x1  }
0x1: {  	s2 =	rddreg [dreg:$0x0]  }
0x2: {  	s0 =	srdreg.scid;
	s3 =	stileid.u32  }
0x3: {  	s1 =	rddreg [dreg:$0x1];
	s29 =	simm.s32 $0x3;
	s31 =	simm.s32 $0x10200  }
0x4: {  	s28 =	simm.s32 $0x4;
	s11 =	simm.s32 $0x7;
	s12 =	simm.s32 $0x8  }
0x5: {  	s0 =	sand.u32 $0x1, s0;
	s4 =	sshll.u32 s3, $0x1;
	s3 =	simm.s32 $0x0  }
0x6: {  	s5 =	sadd.s32 $0xA00, s1;
	s7 =	sor.u32 s0, s4;
	[smem:$0x7FF] =	sst s3  }
0x7: {  	s4 =	sadd.s32 $0xF42E00, s1;
	s0 =	ssub.s32 $0x2, s0;
	s8 =	smul.u32 $0x6400, s7  }
0x8: {  	_ =	strace $0x80000047;
	s20 =	sshrl.u32 s0, $0x1;
	s23 =	smul.u32 $0x64000, s7  }
0x9: {  	s13 =	smul.u32 $0x320000, s7;
	s0 =	ssub.s32 s0, s20;
	s6 =	sor.u32 $0x80, s8  }
0xa: {  	s21 =	sshrl.u32 s8, $0x3;
	s1 =	sadd.s32 s5, s23;
	s14 =	sor.u32 $0x200, s8  }
0xb: {  	s15 =	sor.u32 $0x280, s8;
	s16 =	sor.u32 $0x100, s8;
	s17 =	sor.u32 $0x300, s8  }
0xc: {  	s18 =	sor.u32 $0xC000, s13;
	s19 =	sor.u32 $0x380, s8;
	s0 =	smax.u32 s0, $0x1  }
0xd: {  	s23 =	simm.s32 $0x180;
	s8 =	simm.s32 $0x0;
	s9 =	sshrl.u32 s6, $0x3  }
0xe: {  	s10 =	sadd.s32 s2, s21;
	s26 =	sshll.u32 s6, $0x4;
	[dreg:$0x7] =	wrdreg s1  }
0xf: {  	[dreg:$0x9] =	wrdreg s0;
	s21 =	simm.s32 $0x80;
	s1 =	simm.s32 $0x14200  }
.Ltmp0:
0x10: {  	s22 =	sadd.s32 s2, s9;
	[dreg:$0x3] =	wrdreg s10;
	(pc) =	sbr.rel .LBB2_1-.Ltmp0, $4  }
0x11: {  	s0 =	simm.s32 $0x5;
	s24 =	sadd.s32 $0x20, s10;
	[dreg:$0x4] =	wrdreg s22  }
0x12: {  	s25 =	sadd.s32 $0x30, s10;
	s30 =	sadd.s32 s5, s26;
	[dreg:$0x5] =	wrdreg s24  }
0x13: {  	s9 =	simm.s32 $0x6;
	s10 =	simm.s32 $0xA;
	[dreg:$0x6] =	wrdreg s25  }
0x14: {  	[dreg:$0x8] =	wrdreg s30;
	s22 =	simm.s32 $0x100;
	s25 =	simm.s32 $0x9  }
.LBB2_12:
0x15: {  	_ =	swait.ge [sflag:s25], $0x4000  }
0x16: {  	[sflag:s25] =	ssyncset.done $0x0  }
0x17: {  	[sflag:s25] =	ssyncadd.s32 $0xFFFFC000  }
0x18: {  	_ =	swait.ge [sflag:s10], $0x4000  }
0x19: {  	s8 =	rddreg [dreg:$0xa]  }
0x1a: {  	s7 =	rddreg [dreg:$0x9];
	s8 =	sadd.s32 $0x1, s8  }
0x1b: {  	p0 =	sne.s32 s8, s7  }
.Ltmp1:
0x1c: {  	_ = 	snop;
	(pc) =	sbr.rel @!p0 .LBB2_13-.Ltmp1, $3  }
0x1d: {  	_ =	sdelay $0x1  }
0x1e: {  	[sflag:s10] =	ssyncset.done $0x0  }
0x1f: {  	[sflag:s10] =	ssyncadd.s32 $0xFFFFC000  }
.LBB2_1:
0x20: {  	[dreg:$0xa] =	wrdreg s8  }
0x21: {  	s7 =	rddreg [dreg:$0x3]  }
0x22: {  	[tilespmem:s3], [sflag:$0x1] =	stream.linear.gather [hbm4b:s7+s3], $0x80, $0x38;
	[tilespmem:$0x18200] =	vst v63  }
0x23: {  	s8 =	rddreg [dreg:$0x4]  }
0x24: {  	[tilespmem:s21], [sflag:$0x2] =	stream.linear.gather [hbm4b:s8+s3], $0x80, $0x38;
	[tilespmem:$0x18200] =	vst v63  }
0x25: {  	s20 =	rddreg [dreg:$0x5]  }
0x26: {  	[tilespmem:s22], [sflag:$0x3] =	stream.linear.gather [hbm4b:s20+s3], $0x80, $0x38;
	[tilespmem:$0x18200] =	vst v63  }
0x27: {  	s24 =	rddreg [dreg:$0x6];
	s26 =	simm.s32 $0x1  }
0x28: {  	[tilespmem:s23], [sflag:$0x4] =	stream.linear.gather [hbm4b:s24+s3], $0x80, $0x38;
	[tilespmem:$0x18200] =	vst v63  }
0x29: {  	_ =	swait.ge [sflag:s26], $0x80  }
0x2a: {  	[sflag:s26] =	ssyncset.done $0x0  }
0x2b: {  	s30 =	simm.s32 $0x200;
	s8 =	simm.s32 $0x2;
	[sflag:s26] =	ssyncadd.s32 $0xFFFFFF80  }
0x2c: {  	[tilespmem:s30], [sflag:$0x5] =	stream.indirect.gather [hbm4b:s4+s21], $0x80, s3, s21, $0xb8;
	[tilespmem:$0x18200] =	vst v63  }
0x2d: {  	_ =	swait.ge [sflag:s8], $0x80  }
0x2e: {  	[sflag:s8] =	ssyncset.done $0x0  }
0x2f: {  	s20 =	simm.s32 $0x4200;
	[sflag:s8] =	ssyncadd.s32 $0xFFFFFF80  }
0x30: {  	[tilespmem:s20], [sflag:$0x6] =	stream.indirect.gather [hbm4b:s4+s21], $0x80, s21, s21, $0xb8;
	[tilespmem:$0x18200] =	vst v63  }
0x31: {  	_ =	swait.ge [sflag:s29], $0x80  }
0x32: {  	[sflag:s29] =	ssyncset.done $0x0  }
0x33: {  	s24 =	simm.s32 $0x8200;
	[sflag:s29] =	ssyncadd.s32 $0xFFFFFF80  }
0x34: {  	[tilespmem:s24], [sflag:$0x7] =	stream.indirect.gather [hbm4b:s4+s21], $0x80, s22, s21, $0xb8;
	[tilespmem:$0x18200] =	vst v63  }
0x35: {  	s26 =	rddreg [dreg:$0x7]  }
0x36: {  	[hbm4b:s26+s3] =	stream.linear.scatter [tilespmem:s31], [sflag:$0x9], $0x4000, $0x38;
	[tilespmem:$0x18200] =	vst v63  }
0x37: {  	s7 =	simm.s32 $0x0;
	s30 =	rddreg [dreg:$0x8]  }
0x38: {  	[hbm4b:s30+s3] =	stream.linear.scatter [tilespmem:s1], [sflag:$0xA], $0x4000, $0x38;
	[tilespmem:$0x18200] =	vst v63  }
.LBB2_2:
0x39: {  	_ =	swait.ge [sflag:s0], $0x4000  }
0x3a: {  	[sflag:s0] =	ssyncset.done $0x0  }
0x3b: {  	[sflag:s0] =	ssyncadd.s32 $0xFFFFC000  }
0x3c: {  	_ =	swait.ge [sflag:s25], $0x4000  }
0x3d: {  	[sflag:s25] =	ssyncset.done $0x0  }
0x3e: {  	s8 =	simm.s32 $0x400;
	[sflag:s25] =	ssyncadd.s32 $0xFFFFC000  }
0x3f: {  	v0 =	vld [tilespmem:s8+$0x180]  }
0x40: {  	v1 =	vld [tilespmem:s8+$0xFFFFFE80]  }
0x41: {  	v2 =	vld [tilespmem:s8+$0xFFFFFF00]  }
0x42: {  	v3 =	vld [tilespmem:s8+$0xFFFFFF80]  }
0x43: {  	v4 =	vld [tilespmem:s8+$0x0]  }
0x44: {  	v5 =	vld [tilespmem:s8+$0x80];
	v0 =	vmul.f32 $8.000000000e+00, v0  }
0x45: {  	s24 =	simm.s32 $0x10400;
	v6 =	vld [tilespmem:s8+$0x100];
	v1 =	vmul.f32 $8.000000000e+00, v1  }
0x46: {  	v7 =	vld [tilespmem:s8+$0xFFFFFE00];
	v2 =	vmul.f32 $8.000000000e+00, v2;
	[tilespmem:s24+$0x180] =	vst v0  }
0x47: {  	[tilespmem:s24+$0xFFFFFE80] =	vst v1;
	v0 =	vmul.f32 $8.000000000e+00, v3;
	v1 =	vld [tilespmem:s8+$0x190]  }
0x48: {  	[tilespmem:s24+$0xFFFFFF00] =	vst v2;
	v2 =	vmul.f32 $8.000000000e+00, v4;
	v3 =	vld [tilespmem:s8+$0xFFFFFE90]  }
0x49: {  	v4 =	vld [tilespmem:s8+$0xFFFFFF10];
	[tilespmem:s24+$0xFFFFFF80] =	vst v0;
	v0 =	vmul.f32 $8.000000000e+00, v5  }
0x4a: {  	[tilespmem:s24+$0x0] =	vst v2;
	v2 =	vmul.f32 $8.000000000e+00, v6;
	v5 =	vld [tilespmem:s8+$0xFFFFFF90]  }
0x4b: {  	v6 =	vmul.f32 $8.000000000e+00, v7;
	v7 =	vld [tilespmem:s8+$0x10];
	[tilespmem:s24+$0x80] =	vst v0  }
0x4c: {  	[tilespmem:s24+$0x100] =	vst v2;
	v0 =	vld [tilespmem:s8+$0x90];
	v1 =	vmul.f32 $8.000000000e+00, v1  }
0x4d: {  	[tilespmem:s24+$0xFFFFFE00] =	vst v6;
	v2 =	vmul.f32 $8.000000000e+00, v3;
	v3 =	vld [tilespmem:s8+$0x110]  }
0x4e: {  	v6 =	vld [tilespmem:s8+$0xFFFFFE10];
	v4 =	vmul.f32 $8.000000000e+00, v4;
	[tilespmem:s24+$0x190] =	vst v1  }
0x4f: {  	[tilespmem:s24+$0xFFFFFE90] =	vst v2;
	v1 =	vmul.f32 $8.000000000e+00, v5;
	v2 =	vld [tilespmem:s8+$0x1A0]  }
0x50: {  	[tilespmem:s24+$0xFFFFFF10] =	vst v4;
	v4 =	vmul.f32 $8.000000000e+00, v7;
	v5 =	vld [tilespmem:s8+$0xFFFFFEA0]  }
0x51: {  	v7 =	vld [tilespmem:s8+$0xFFFFFF20];
	[tilespmem:s24+$0xFFFFFF90] =	vst v1;
	v0 =	vmul.f32 $8.000000000e+00, v0  }
0x52: {  	[tilespmem:s24+$0x10] =	vst v4;
	v1 =	vld [tilespmem:s8+$0xFFFFFFA0];
	v3 =	vmul.f32 $8.000000000e+00, v3  }
0x53: {  	v4 =	vmul.f32 $8.000000000e+00, v6;
	v6 =	vld [tilespmem:s8+$0x20];
	[tilespmem:s24+$0x90] =	vst v0  }
0x54: {  	v0 =	vld [tilespmem:s8+$0xA0];
	[tilespmem:s24+$0x110] =	vst v3;
	v2 =	vmul.f32 $8.000000000e+00, v2  }
0x55: {  	[tilespmem:s24+$0xFFFFFE10] =	vst v4;
	v3 =	vmul.f32 $8.000000000e+00, v5;
	v4 =	vld [tilespmem:s8+$0x120]  }
0x56: {  	v5 =	vld [tilespmem:s8+$0xFFFFFE20];
	v7 =	vmul.f32 $8.000000000e+00, v7;
	[tilespmem:s24+$0x1A0] =	vst v2  }
0x57: {  	[tilespmem:s24+$0xFFFFFEA0] =	vst v3;
	v1 =	vmul.f32 $8.000000000e+00, v1;
	v3 =	vld [tilespmem:s8+$0x1B0]  }
0x58: {  	[tilespmem:s24+$0xFFFFFF20] =	vst v7;
	v2 =	vmul.f32 $8.000000000e+00, v6;
	v8 =	vld [tilespmem:s8+$0xFFFFFEB0]  }
0x59: {  	v7 =	vld [tilespmem:s8+$0xFFFFFF30];
	[tilespmem:s24+$0xFFFFFFA0] =	vst v1;
	v1 =	vmul.f32 $8.000000000e+00, v0  }
0x5a: {  	[tilespmem:s24+$0x20] =	vst v2;
	v0 =	vld [tilespmem:s8+$0xFFFFFFB0];
	v4 =	vmul.f32 $8.000000000e+00, v4  }
0x5b: {  	v5 =	vmul.f32 $8.000000000e+00, v5;
	v2 =	vld [tilespmem:s8+$0x30];
	[tilespmem:s24+$0xA0] =	vst v1  }
0x5c: {  	v1 =	vld [tilespmem:s8+$0xB0];
	[tilespmem:s24+$0x120] =	vst v4;
	v9 =	vmul.f32 $8.000000000e+00, v3  }
0x5d: {  	[tilespmem:s24+$0xFFFFFE20] =	vst v5;
	v3 =	vld [tilespmem:s8+$0x130];
	v6 =	vmul.f32 $8.000000000e+00, v8  }
0x5e: {  	s20 =	simm.s32 $0x0;
	s26 =	simm.s32 $0x800;
	v4 =	vld [tilespmem:s8+$0xFFFFFE30];
	v5 =	vmul.f32 $8.000000000e+00, v7;
	[tilespmem:s24+$0x1B0] =	vst v9  }
.LBB2_3:
0x5f: {  	v7 =	vld [tilespmem:s26+$0x180];
	s20 =	sadd.s32 $0x8, s20;
	[tilespmem:s24+$0xFFFFFEB0] =	vst v6;
	v0 =	vmul.f32 $8.000000000e+00, v0  }
0x60: {  	v6 =	vld [tilespmem:s26+$0xFFFFFE80];
	p0 =	slt.u32 s20, $0x78;
	[tilespmem:s24+$0xFFFFFF30] =	vst v5;
	v2 =	vmul.f32 $8.000000000e+00, v2  }
0x61: {  	v5 =	vld [tilespmem:s26+$0xFFFFFF00];
	[tilespmem:s24+$0xFFFFFFB0] =	vst v0;
	v0 =	vmul.f32 $8.000000000e+00, v1  }
0x62: {  	v1 =	vld [tilespmem:s26+$0xFFFFFF80];
	[tilespmem:s24+$0x30] =	vst v2;
	v2 =	vmul.f32 $8.000000000e+00, v3  }
0x63: {  	v3 =	vld [tilespmem:s26+$0x0];
	v4 =	vmul.f32 $8.000000000e+00, v4;
	[tilespmem:s24+$0xB0] =	vst v0  }
0x64: {  	v0 =	vld [tilespmem:s26+$0x80];
	v7 =	vmul.f32 $8.000000000e+00, v7;
	[tilespmem:s24+$0x130] =	vst v2  }
0x65: {  	v2 =	vmul.f32 $8.000000000e+00, v6;
	v6 =	vld [tilespmem:s26+$0x100];
	[tilespmem:s24+$0xFFFFFE30] =	vst v4;
	s24 =	sadd.s32 $0x400, s24  }
0x66: {  	v4 =	vld [tilespmem:s26+$0xFFFFFE00];
	v5 =	vmul.f32 $8.000000000e+00, v5;
	[tilespmem:s24+$0x180] =	vst v7  }
0x67: {  	[tilespmem:s24+$0xFFFFFE80] =	vst v2;
	v1 =	vmul.f32 $8.000000000e+00, v1;
	v2 =	vld [tilespmem:s26+$0x190]  }
0x68: {  	v7 =	vld [tilespmem:s26+$0xFFFFFE90];
	[tilespmem:s24+$0xFFFFFF00] =	vst v5;
	v3 =	vmul.f32 $8.000000000e+00, v3  }
0x69: {  	v5 =	vld [tilespmem:s26+$0xFFFFFF10];
	[tilespmem:s24+$0xFFFFFF80] =	vst v1;
	v0 =	vmul.f32 $8.000000000e+00, v0  }
0x6a: {  	v1 =	vld [tilespmem:s26+$0xFFFFFF90];
	[tilespmem:s24+$0x0] =	vst v3;
	v3 =	vmul.f32 $8.000000000e+00, v6  }
0x6b: {  	v4 =	vmul.f32 $8.000000000e+00, v4;
	v6 =	vld [tilespmem:s26+$0x10];
	[tilespmem:s24+$0x80] =	vst v0  }
0x6c: {  	v0 =	vld [tilespmem:s26+$0x90];
	[tilespmem:s24+$0x100] =	vst v3;
	v2 =	vmul.f32 $8.000000000e+00, v2  }
0x6d: {  	[tilespmem:s24+$0xFFFFFE00] =	vst v4;
	v3 =	vmul.f32 $8.000000000e+00, v7;
	v4 =	vld [tilespmem:s26+$0x110]  }
0x6e: {  	v7 =	vld [tilespmem:s26+$0xFFFFFE10];
	v5 =	vmul.f32 $8.000000000e+00, v5;
	[tilespmem:s24+$0x190] =	vst v2  }
0x6f: {  	[tilespmem:s24+$0xFFFFFE90] =	vst v3;
	v1 =	vmul.f32 $8.000000000e+00, v1;
	v2 =	vld [tilespmem:s26+$0x1A0]  }
0x70: {  	v3 =	vld [tilespmem:s26+$0xFFFFFEA0];
	[tilespmem:s24+$0xFFFFFF10] =	vst v5;
	v5 =	vmul.f32 $8.000000000e+00, v6  }
0x71: {  	v6 =	vld [tilespmem:s26+$0xFFFFFF20];
	[tilespmem:s24+$0xFFFFFF90] =	vst v1;
	v0 =	vmul.f32 $8.000000000e+00, v0  }
0x72: {  	v1 =	vld [tilespmem:s26+$0xFFFFFFA0];
	[tilespmem:s24+$0x10] =	vst v5;
	v4 =	vmul.f32 $8.000000000e+00, v4  }
0x73: {  	v5 =	vmul.f32 $8.000000000e+00, v7;
	v7 =	vld [tilespmem:s26+$0x20];
	[tilespmem:s24+$0x90] =	vst v0  }
0x74: {  	v0 =	vld [tilespmem:s26+$0xA0];
	[tilespmem:s24+$0x110] =	vst v4;
	v2 =	vmul.f32 $8.000000000e+00, v2  }
0x75: {  	[tilespmem:s24+$0xFFFFFE10] =	vst v5;
	v3 =	vmul.f32 $8.000000000e+00, v3;
	v4 =	vld [tilespmem:s26+$0x120]  }
0x76: {  	v5 =	vld [tilespmem:s26+$0xFFFFFE20];
	v6 =	vmul.f32 $8.000000000e+00, v6;
	[tilespmem:s24+$0x1A0] =	vst v2  }
0x77: {  	[tilespmem:s24+$0xFFFFFEA0] =	vst v3;
	v1 =	vmul.f32 $8.000000000e+00, v1;
	v3 =	vld [tilespmem:s26+$0x1B0]  }
0x78: {  	v8 =	vld [tilespmem:s26+$0xFFFFFEB0];
	[tilespmem:s24+$0xFFFFFF20] =	vst v6;
	v2 =	vmul.f32 $8.000000000e+00, v7  }
0x79: {  	v7 =	vld [tilespmem:s26+$0xFFFFFF30];
	[tilespmem:s24+$0xFFFFFFA0] =	vst v1;
	v1 =	vmul.f32 $8.000000000e+00, v0  }
.Ltmp2:
0x7a: {  	v0 =	vld [tilespmem:s26+$0xFFFFFFB0];
	[tilespmem:s24+$0x20] =	vst v2;
	v4 =	vmul.f32 $8.000000000e+00, v4;
	(pc) =	sbr.rel @p0 .LBB2_3-.Ltmp2, $4  }
0x7b: {  	v5 =	vmul.f32 $8.000000000e+00, v5;
	v2 =	vld [tilespmem:s26+$0x30];
	[tilespmem:s24+$0xA0] =	vst v1  }
0x7c: {  	v1 =	vld [tilespmem:s26+$0xB0];
	[tilespmem:s24+$0x120] =	vst v4;
	v9 =	vmul.f32 $8.000000000e+00, v3  }
0x7d: {  	[tilespmem:s24+$0xFFFFFE20] =	vst v5;
	v6 =	vmul.f32 $8.000000000e+00, v8;
	v3 =	vld [tilespmem:s26+$0x130]  }
0x7e: {  	v4 =	vld [tilespmem:s26+$0xFFFFFE30];
	v5 =	vmul.f32 $8.000000000e+00, v7;
	[tilespmem:s24+$0x1B0] =	vst v9;
	s26 =	sadd.s32 $0x400, s26  }
0x7f: {  	[tilespmem:s24+$0xFFFFFEB0] =	vst v6;
	v0 =	vmul.f32 $8.000000000e+00, v0  }
0x80: {  	[tilespmem:s24+$0xFFFFFF30] =	vst v5;
	v2 =	vmul.f32 $8.000000000e+00, v2  }
0x81: {  	[tilespmem:s24+$0xFFFFFFB0] =	vst v0;
	v0 =	vmul.f32 $8.000000000e+00, v1  }
0x82: {  	s26 =	sshll.u32 s7, $0x10;
	[tilespmem:s24+$0x30] =	vst v2;
	v1 =	vmul.f32 $8.000000000e+00, v3  }
0x83: {  	s8 =	sadd.s32 s13, s26;
	v2 =	vmul.f32 $8.000000000e+00, v4;
	[tilespmem:s24+$0xB0] =	vst v0  }
0x84: {  	s8 =	sshrl.u32 s8, $0x3;
	[tilespmem:s24+$0x130] =	vst v1  }
0x85: {  	p0 =	seq.s32 s7, $0x31;
	s8 =	sadd.s32 s5, s8;
	[tilespmem:s24+$0xFFFFFE30] =	vst v2;
	s24 =	sshll.u32 s7, $0x9  }
0x86: {  	[hbm4b:s8+s3] =	stream.linear.scatter [tilespmem:s31], [sflag:$0x9], $0x4000, $0x38;
	[tilespmem:$0x18200] =	vst v63  }
0x87: {  	s8 =	sadd.s32 @!p0 s24, s14  }
0x88: {  	s8 =	sshrl.u32 @!p0 s8, $0x3  }
0x89: {  	s20 =	simm.s32 @!p0 $0x0;
	s8 =	sadd.s32 @!p0 s2, s8  }
0x8a: {  	[tilespmem:s20], [sflag:$0x1] =	stream.linear.gather @!p0 [hbm4b:s8+s20], $0x80, $0x38;
	[tilespmem:$0x18200] =	vst v63  }
0x8b: {  	_ =	swait.ge [sflag:s28], $0x80  }
0x8c: {  	[sflag:s28] =	ssyncset.done $0x0  }
0x8d: {  	s20 =	simm.s32 $0xC200;
	[sflag:s28] =	ssyncadd.s32 $0xFFFFFF80  }
0x8e: {  	[tilespmem:s20], [sflag:$0x8] =	stream.indirect.gather [hbm4b:s4+s21], $0x80, s23, s21, $0xb8;
	[tilespmem:$0x18200] =	vst v63  }
0x8f: {  	_ =	swait.ge [sflag:s9], $0x4000  }
0x90: {  	[sflag:s9] =	ssyncset.done $0x0  }
0x91: {  	[sflag:s9] =	ssyncadd.s32 $0xFFFFC000  }
0x92: {  	_ =	swait.ge [sflag:s10], $0x4000  }
0x93: {  	[sflag:s10] =	ssyncset.done $0x0  }
0x94: {  	s8 =	simm.s32 $0x4400;
	[sflag:s10] =	ssyncadd.s32 $0xFFFFC000  }
0x95: {  	v0 =	vld [tilespmem:s8+$0x180]  }
0x96: {  	v1 =	vld [tilespmem:s8+$0xFFFFFE80]  }
0x97: {  	v2 =	vld [tilespmem:s8+$0xFFFFFF00]  }
0x98: {  	v3 =	vld [tilespmem:s8+$0xFFFFFF80]  }
0x99: {  	v4 =	vld [tilespmem:s8+$0x0]  }
0x9a: {  	v5 =	vld [tilespmem:s8+$0x80];
	v0 =	vmul.f32 $8.000000000e+00, v0  }
0x9b: {  	s20 =	simm.s32 $0x14400;
	v6 =	vld [tilespmem:s8+$0x100];
	v1 =	vmul.f32 $8.000000000e+00, v1  }
0x9c: {  	v7 =	vld [tilespmem:s8+$0xFFFFFE00];
	v2 =	vmul.f32 $8.000000000e+00, v2;
	[tilespmem:s20+$0x180] =	vst v0  }
0x9d: {  	[tilespmem:s20+$0xFFFFFE80] =	vst v1;
	v0 =	vmul.f32 $8.000000000e+00, v3;
	v1 =	vld [tilespmem:s8+$0x190]  }
0x9e: {  	[tilespmem:s20+$0xFFFFFF00] =	vst v2;
	v2 =	vmul.f32 $8.000000000e+00, v4;
	v3 =	vld [tilespmem:s8+$0xFFFFFE90]  }
0x9f: {  	v4 =	vld [tilespmem:s8+$0xFFFFFF10];
	[tilespmem:s20+$0xFFFFFF80] =	vst v0;
	v0 =	vmul.f32 $8.000000000e+00, v5  }
0xa0: {  	[tilespmem:s20+$0x0] =	vst v2;
	v2 =	vmul.f32 $8.000000000e+00, v6;
	v5 =	vld [tilespmem:s8+$0xFFFFFF90]  }
0xa1: {  	v6 =	vmul.f32 $8.000000000e+00, v7;
	v7 =	vld [tilespmem:s8+$0x10];
	[tilespmem:s20+$0x80] =	vst v0  }
0xa2: {  	[tilespmem:s20+$0x100] =	vst v2;
	v0 =	vld [tilespmem:s8+$0x90];
	v1 =	vmul.f32 $8.000000000e+00, v1  }
0xa3: {  	[tilespmem:s20+$0xFFFFFE00] =	vst v6;
	v2 =	vmul.f32 $8.000000000e+00, v3;
	v3 =	vld [tilespmem:s8+$0x110]  }
0xa4: {  	v6 =	vld [tilespmem:s8+$0xFFFFFE10];
	v4 =	vmul.f32 $8.000000000e+00, v4;
	[tilespmem:s20+$0x190] =	vst v1  }
0xa5: {  	[tilespmem:s20+$0xFFFFFE90] =	vst v2;
	v1 =	vmul.f32 $8.000000000e+00, v5;
	v2 =	vld [tilespmem:s8+$0x1A0]  }
0xa6: {  	[tilespmem:s20+$0xFFFFFF10] =	vst v4;
	v4 =	vmul.f32 $8.000000000e+00, v7;
	v5 =	vld [tilespmem:s8+$0xFFFFFEA0]  }
0xa7: {  	v7 =	vld [tilespmem:s8+$0xFFFFFF20];
	[tilespmem:s20+$0xFFFFFF90] =	vst v1;
	v0 =	vmul.f32 $8.000000000e+00, v0  }
0xa8: {  	[tilespmem:s20+$0x10] =	vst v4;
	v1 =	vld [tilespmem:s8+$0xFFFFFFA0];
	v3 =	vmul.f32 $8.000000000e+00, v3  }
0xa9: {  	v4 =	vmul.f32 $8.000000000e+00, v6;
	v6 =	vld [tilespmem:s8+$0x20];
	[tilespmem:s20+$0x90] =	vst v0  }
0xaa: {  	v0 =	vld [tilespmem:s8+$0xA0];
	[tilespmem:s20+$0x110] =	vst v3;
	v2 =	vmul.f32 $8.000000000e+00, v2  }
0xab: {  	[tilespmem:s20+$0xFFFFFE10] =	vst v4;
	v3 =	vmul.f32 $8.000000000e+00, v5;
	v4 =	vld [tilespmem:s8+$0x120]  }
0xac: {  	v5 =	vld [tilespmem:s8+$0xFFFFFE20];
	v7 =	vmul.f32 $8.000000000e+00, v7;
	[tilespmem:s20+$0x1A0] =	vst v2  }
0xad: {  	[tilespmem:s20+$0xFFFFFEA0] =	vst v3;
	v1 =	vmul.f32 $8.000000000e+00, v1;
	v3 =	vld [tilespmem:s8+$0x1B0]  }
0xae: {  	[tilespmem:s20+$0xFFFFFF20] =	vst v7;
	v2 =	vmul.f32 $8.000000000e+00, v6;
	v8 =	vld [tilespmem:s8+$0xFFFFFEB0]  }
0xaf: {  	v7 =	vld [tilespmem:s8+$0xFFFFFF30];
	[tilespmem:s20+$0xFFFFFFA0] =	vst v1;
	v1 =	vmul.f32 $8.000000000e+00, v0  }
0xb0: {  	[tilespmem:s20+$0x20] =	vst v2;
	v0 =	vld [tilespmem:s8+$0xFFFFFFB0];
	v4 =	vmul.f32 $8.000000000e+00, v4  }
0xb1: {  	v5 =	vmul.f32 $8.000000000e+00, v5;
	v2 =	vld [tilespmem:s8+$0x30];
	[tilespmem:s20+$0xA0] =	vst v1  }
0xb2: {  	v1 =	vld [tilespmem:s8+$0xB0];
	[tilespmem:s20+$0x120] =	vst v4;
	v9 =	vmul.f32 $8.000000000e+00, v3  }
0xb3: {  	[tilespmem:s20+$0xFFFFFE20] =	vst v5;
	v3 =	vld [tilespmem:s8+$0x130];
	v6 =	vmul.f32 $8.000000000e+00, v8  }
0xb4: {  	s30 =	simm.s32 $0x0;
	v4 =	vld [tilespmem:s8+$0xFFFFFE30];
	v5 =	vmul.f32 $8.000000000e+00, v7;
	s8 =	simm.s32 $0x4800;
	[tilespmem:s20+$0x1B0] =	vst v9  }
.LBB2_5:
0xb5: {  	v7 =	vld [tilespmem:s8+$0x180];
	s30 =	sadd.s32 $0x8, s30;
	[tilespmem:s20+$0xFFFFFEB0] =	vst v6;
	v0 =	vmul.f32 $8.000000000e+00, v0  }
0xb6: {  	v6 =	vld [tilespmem:s8+$0xFFFFFE80];
	p1 =	slt.u32 s30, $0x78;
	[tilespmem:s20+$0xFFFFFF30] =	vst v5;
	v2 =	vmul.f32 $8.000000000e+00, v2  }
0xb7: {  	v5 =	vld [tilespmem:s8+$0xFFFFFF00];
	[tilespmem:s20+$0xFFFFFFB0] =	vst v0;
	v0 =	vmul.f32 $8.000000000e+00, v1  }
0xb8: {  	v1 =	vld [tilespmem:s8+$0xFFFFFF80];
	[tilespmem:s20+$0x30] =	vst v2;
	v2 =	vmul.f32 $8.000000000e+00, v3  }
0xb9: {  	v3 =	vld [tilespmem:s8+$0x0];
	v4 =	vmul.f32 $8.000000000e+00, v4;
	[tilespmem:s20+$0xB0] =	vst v0  }
0xba: {  	v0 =	vld [tilespmem:s8+$0x80];
	v7 =	vmul.f32 $8.000000000e+00, v7;
	[tilespmem:s20+$0x130] =	vst v2  }
0xbb: {  	v2 =	vmul.f32 $8.000000000e+00, v6;
	v6 =	vld [tilespmem:s8+$0x100];
	[tilespmem:s20+$0xFFFFFE30] =	vst v4;
	s20 =	sadd.s32 $0x400, s20  }
0xbc: {  	v4 =	vld [tilespmem:s8+$0xFFFFFE00];
	v5 =	vmul.f32 $8.000000000e+00, v5;
	[tilespmem:s20+$0x180] =	vst v7  }
0xbd: {  	[tilespmem:s20+$0xFFFFFE80] =	vst v2;
	v1 =	vmul.f32 $8.000000000e+00, v1;
	v2 =	vld [tilespmem:s8+$0x190]  }
0xbe: {  	v7 =	vld [tilespmem:s8+$0xFFFFFE90];
	[tilespmem:s20+$0xFFFFFF00] =	vst v5;
	v3 =	vmul.f32 $8.000000000e+00, v3  }
0xbf: {  	v5 =	vld [tilespmem:s8+$0xFFFFFF10];
	[tilespmem:s20+$0xFFFFFF80] =	vst v1;
	v0 =	vmul.f32 $8.000000000e+00, v0  }
0xc0: {  	v1 =	vld [tilespmem:s8+$0xFFFFFF90];
	[tilespmem:s20+$0x0] =	vst v3;
	v3 =	vmul.f32 $8.000000000e+00, v6  }
0xc1: {  	v4 =	vmul.f32 $8.000000000e+00, v4;
	v6 =	vld [tilespmem:s8+$0x10];
	[tilespmem:s20+$0x80] =	vst v0  }
0xc2: {  	v0 =	vld [tilespmem:s8+$0x90];
	[tilespmem:s20+$0x100] =	vst v3;
	v2 =	vmul.f32 $8.000000000e+00, v2  }
0xc3: {  	[tilespmem:s20+$0xFFFFFE00] =	vst v4;
	v3 =	vmul.f32 $8.000000000e+00, v7;
	v4 =	vld [tilespmem:s8+$0x110]  }
0xc4: {  	v7 =	vld [tilespmem:s8+$0xFFFFFE10];
	v5 =	vmul.f32 $8.000000000e+00, v5;
	[tilespmem:s20+$0x190] =	vst v2  }
0xc5: {  	[tilespmem:s20+$0xFFFFFE90] =	vst v3;
	v1 =	vmul.f32 $8.000000000e+00, v1;
	v2 =	vld [tilespmem:s8+$0x1A0]  }
0xc6: {  	v3 =	vld [tilespmem:s8+$0xFFFFFEA0];
	[tilespmem:s20+$0xFFFFFF10] =	vst v5;
	v5 =	vmul.f32 $8.000000000e+00, v6  }
0xc7: {  	v6 =	vld [tilespmem:s8+$0xFFFFFF20];
	[tilespmem:s20+$0xFFFFFF90] =	vst v1;
	v0 =	vmul.f32 $8.000000000e+00, v0  }
0xc8: {  	v1 =	vld [tilespmem:s8+$0xFFFFFFA0];
	[tilespmem:s20+$0x10] =	vst v5;
	v4 =	vmul.f32 $8.000000000e+00, v4  }
0xc9: {  	v5 =	vmul.f32 $8.000000000e+00, v7;
	v7 =	vld [tilespmem:s8+$0x20];
	[tilespmem:s20+$0x90] =	vst v0  }
0xca: {  	v0 =	vld [tilespmem:s8+$0xA0];
	[tilespmem:s20+$0x110] =	vst v4;
	v2 =	vmul.f32 $8.000000000e+00, v2  }
0xcb: {  	[tilespmem:s20+$0xFFFFFE10] =	vst v5;
	v3 =	vmul.f32 $8.000000000e+00, v3;
	v4 =	vld [tilespmem:s8+$0x120]  }
0xcc: {  	v5 =	vld [tilespmem:s8+$0xFFFFFE20];
	v6 =	vmul.f32 $8.000000000e+00, v6;
	[tilespmem:s20+$0x1A0] =	vst v2  }
0xcd: {  	[tilespmem:s20+$0xFFFFFEA0] =	vst v3;
	v1 =	vmul.f32 $8.000000000e+00, v1;
	v3 =	vld [tilespmem:s8+$0x1B0]  }
0xce: {  	v8 =	vld [tilespmem:s8+$0xFFFFFEB0];
	[tilespmem:s20+$0xFFFFFF20] =	vst v6;
	v2 =	vmul.f32 $8.000000000e+00, v7  }
0xcf: {  	v7 =	vld [tilespmem:s8+$0xFFFFFF30];
	[tilespmem:s20+$0xFFFFFFA0] =	vst v1;
	v1 =	vmul.f32 $8.000000000e+00, v0  }
.Ltmp3:
0xd0: {  	v0 =	vld [tilespmem:s8+$0xFFFFFFB0];
	[tilespmem:s20+$0x20] =	vst v2;
	v4 =	vmul.f32 $8.000000000e+00, v4;
	(pc) =	sbr.rel @p1 .LBB2_5-.Ltmp3, $4  }
0xd1: {  	v5 =	vmul.f32 $8.000000000e+00, v5;
	v2 =	vld [tilespmem:s8+$0x30];
	[tilespmem:s20+$0xA0] =	vst v1  }
0xd2: {  	v1 =	vld [tilespmem:s8+$0xB0];
	[tilespmem:s20+$0x120] =	vst v4;
	v9 =	vmul.f32 $8.000000000e+00, v3  }
0xd3: {  	[tilespmem:s20+$0xFFFFFE20] =	vst v5;
	v6 =	vmul.f32 $8.000000000e+00, v8;
	v3 =	vld [tilespmem:s8+$0x130]  }
0xd4: {  	v4 =	vld [tilespmem:s8+$0xFFFFFE30];
	v5 =	vmul.f32 $8.000000000e+00, v7;
	[tilespmem:s20+$0x1B0] =	vst v9;
	s8 =	sadd.s32 $0x400, s8  }
0xd5: {  	[tilespmem:s20+$0xFFFFFEB0] =	vst v6;
	v0 =	vmul.f32 $8.000000000e+00, v0  }
0xd6: {  	[tilespmem:s20+$0xFFFFFF30] =	vst v5;
	v2 =	vmul.f32 $8.000000000e+00, v2  }
0xd7: {  	[tilespmem:s20+$0xFFFFFFB0] =	vst v0;
	v0 =	vmul.f32 $8.000000000e+00, v1  }
0xd8: {  	[tilespmem:s20+$0x30] =	vst v2;
	v1 =	vmul.f32 $8.000000000e+00, v3  }
0xd9: {  	s8 =	sadd.s32 s24, s6;
	v2 =	vmul.f32 $8.000000000e+00, v4;
	[tilespmem:s20+$0xB0] =	vst v0  }
0xda: {  	s8 =	sshll.u32 s8, $0x4;
	[tilespmem:s20+$0x130] =	vst v1  }
0xdb: {  	s8 =	sadd.s32 s5, s8;
	[tilespmem:s20+$0xFFFFFE30] =	vst v2  }
0xdc: {  	[hbm4b:s8+s3] =	stream.linear.scatter [tilespmem:s1], [sflag:$0xA], $0x4000, $0x38;
	[tilespmem:$0x18200] =	vst v63  }
0xdd: {  	s8 =	sadd.s32 @!p0 s24, s15  }
0xde: {  	s8 =	sshrl.u32 @!p0 s8, $0x3  }
0xdf: {  	s30 =	simm.s32 @!p0 $0x80;
	s20 =	simm.s32 @!p0 $0x0;
	s8 =	sadd.s32 @!p0 s2, s8  }
0xe0: {  	[tilespmem:s30], [sflag:$0x2] =	stream.linear.gather @!p0 [hbm4b:s8+s20], $0x80, $0x38;
	[tilespmem:$0x18200] =	vst v63  }
0xe1: {  	s8 =	simm.s32 @!p0 $0x1  }
0xe2: {  	_ =	swait.ge @!p0 [sflag:s8], $0x80  }
0xe3: {  	[sflag:s8] =	ssyncset.done @!p0 $0x0  }
0xe4: {  	[sflag:s8] =	ssyncadd.s32 @!p0 $0xFFFFFF80;
	s8 =	simm.s32 @!p0 $0x200  }
0xe5: {  	[tilespmem:s8], [sflag:$0x5] =	stream.indirect.gather @!p0 [hbm4b:s4+s30], $0x80, s20, s30, $0xb8;
	[tilespmem:$0x18200] =	vst v63  }
0xe6: {  	_ =	swait.ge [sflag:s11], $0x4000  }
0xe7: {  	[sflag:s11] =	ssyncset.done $0x0  }
0xe8: {  	[sflag:s11] =	ssyncadd.s32 $0xFFFFC000  }
0xe9: {  	_ =	swait.ge [sflag:s25], $0x4000  }
0xea: {  	[sflag:s25] =	ssyncset.done $0x0  }
0xeb: {  	s8 =	simm.s32 $0x8400;
	[sflag:s25] =	ssyncadd.s32 $0xFFFFC000  }
0xec: {  	v0 =	vld [tilespmem:s8+$0x180]  }
0xed: {  	v1 =	vld [tilespmem:s8+$0xFFFFFE80]  }
0xee: {  	v2 =	vld [tilespmem:s8+$0xFFFFFF00]  }
0xef: {  	v3 =	vld [tilespmem:s8+$0xFFFFFF80]  }
0xf0: {  	v4 =	vld [tilespmem:s8+$0x0]  }
0xf1: {  	v5 =	vld [tilespmem:s8+$0x80];
	v0 =	vmul.f32 $8.000000000e+00, v0  }
0xf2: {  	s20 =	simm.s32 $0x10400;
	v6 =	vld [tilespmem:s8+$0x100];
	v1 =	vmul.f32 $8.000000000e+00, v1  }
0xf3: {  	v7 =	vld [tilespmem:s8+$0xFFFFFE00];
	v2 =	vmul.f32 $8.000000000e+00, v2;
	[tilespmem:s20+$0x180] =	vst v0  }
0xf4: {  	[tilespmem:s20+$0xFFFFFE80] =	vst v1;
	v0 =	vmul.f32 $8.000000000e+00, v3;
	v1 =	vld [tilespmem:s8+$0x190]  }
0xf5: {  	[tilespmem:s20+$0xFFFFFF00] =	vst v2;
	v2 =	vmul.f32 $8.000000000e+00, v4;
	v3 =	vld [tilespmem:s8+$0xFFFFFE90]  }
0xf6: {  	v4 =	vld [tilespmem:s8+$0xFFFFFF10];
	[tilespmem:s20+$0xFFFFFF80] =	vst v0;
	v0 =	vmul.f32 $8.000000000e+00, v5  }
0xf7: {  	[tilespmem:s20+$0x0] =	vst v2;
	v2 =	vmul.f32 $8.000000000e+00, v6;
	v5 =	vld [tilespmem:s8+$0xFFFFFF90]  }
0xf8: {  	v6 =	vmul.f32 $8.000000000e+00, v7;
	v7 =	vld [tilespmem:s8+$0x10];
	[tilespmem:s20+$0x80] =	vst v0  }
0xf9: {  	[tilespmem:s20+$0x100] =	vst v2;
	v0 =	vld [tilespmem:s8+$0x90];
	v1 =	vmul.f32 $8.000000000e+00, v1  }
0xfa: {  	[tilespmem:s20+$0xFFFFFE00] =	vst v6;
	v2 =	vmul.f32 $8.000000000e+00, v3;
	v3 =	vld [tilespmem:s8+$0x110]  }
0xfb: {  	v6 =	vld [tilespmem:s8+$0xFFFFFE10];
	v4 =	vmul.f32 $8.000000000e+00, v4;
	[tilespmem:s20+$0x190] =	vst v1  }
0xfc: {  	[tilespmem:s20+$0xFFFFFE90] =	vst v2;
	v1 =	vmul.f32 $8.000000000e+00, v5;
	v2 =	vld [tilespmem:s8+$0x1A0]  }
0xfd: {  	[tilespmem:s20+$0xFFFFFF10] =	vst v4;
	v4 =	vmul.f32 $8.000000000e+00, v7;
	v5 =	vld [tilespmem:s8+$0xFFFFFEA0]  }
0xfe: {  	v7 =	vld [tilespmem:s8+$0xFFFFFF20];
	[tilespmem:s20+$0xFFFFFF90] =	vst v1;
	v0 =	vmul.f32 $8.000000000e+00, v0  }
0xff: {  	[tilespmem:s20+$0x10] =	vst v4;
	v1 =	vld [tilespmem:s8+$0xFFFFFFA0];
	v3 =	vmul.f32 $8.000000000e+00, v3  }
0x100: {  	v4 =	vmul.f32 $8.000000000e+00, v6;
	v6 =	vld [tilespmem:s8+$0x20];
	[tilespmem:s20+$0x90] =	vst v0  }
0x101: {  	v0 =	vld [tilespmem:s8+$0xA0];
	[tilespmem:s20+$0x110] =	vst v3;
	v2 =	vmul.f32 $8.000000000e+00, v2  }
0x102: {  	[tilespmem:s20+$0xFFFFFE10] =	vst v4;
	v3 =	vmul.f32 $8.000000000e+00, v5;
	v4 =	vld [tilespmem:s8+$0x120]  }
0x103: {  	v5 =	vld [tilespmem:s8+$0xFFFFFE20];
	v7 =	vmul.f32 $8.000000000e+00, v7;
	[tilespmem:s20+$0x1A0] =	vst v2  }
0x104: {  	[tilespmem:s20+$0xFFFFFEA0] =	vst v3;
	v1 =	vmul.f32 $8.000000000e+00, v1;
	v3 =	vld [tilespmem:s8+$0x1B0]  }
0x105: {  	[tilespmem:s20+$0xFFFFFF20] =	vst v7;
	v2 =	vmul.f32 $8.000000000e+00, v6;
	v8 =	vld [tilespmem:s8+$0xFFFFFEB0]  }
0x106: {  	v7 =	vld [tilespmem:s8+$0xFFFFFF30];
	[tilespmem:s20+$0xFFFFFFA0] =	vst v1;
	v1 =	vmul.f32 $8.000000000e+00, v0  }
0x107: {  	[tilespmem:s20+$0x20] =	vst v2;
	v0 =	vld [tilespmem:s8+$0xFFFFFFB0];
	v4 =	vmul.f32 $8.000000000e+00, v4  }
0x108: {  	v5 =	vmul.f32 $8.000000000e+00, v5;
	v2 =	vld [tilespmem:s8+$0x30];
	[tilespmem:s20+$0xA0] =	vst v1  }
0x109: {  	v1 =	vld [tilespmem:s8+$0xB0];
	[tilespmem:s20+$0x120] =	vst v4;
	v9 =	vmul.f32 $8.000000000e+00, v3  }
0x10a: {  	[tilespmem:s20+$0xFFFFFE20] =	vst v5;
	v3 =	vld [tilespmem:s8+$0x130];
	v6 =	vmul.f32 $8.000000000e+00, v8  }
0x10b: {  	s30 =	simm.s32 $0x0;
	v4 =	vld [tilespmem:s8+$0xFFFFFE30];
	v5 =	vmul.f32 $8.000000000e+00, v7;
	s8 =	simm.s32 $0x8800;
	[tilespmem:s20+$0x1B0] =	vst v9  }
.LBB2_7:
0x10c: {  	v7 =	vld [tilespmem:s8+$0x180];
	s30 =	sadd.s32 $0x8, s30;
	[tilespmem:s20+$0xFFFFFEB0] =	vst v6;
	v0 =	vmul.f32 $8.000000000e+00, v0  }
0x10d: {  	v6 =	vld [tilespmem:s8+$0xFFFFFE80];
	p1 =	slt.u32 s30, $0x78;
	[tilespmem:s20+$0xFFFFFF30] =	vst v5;
	v2 =	vmul.f32 $8.000000000e+00, v2  }
0x10e: {  	v5 =	vld [tilespmem:s8+$0xFFFFFF00];
	[tilespmem:s20+$0xFFFFFFB0] =	vst v0;
	v0 =	vmul.f32 $8.000000000e+00, v1  }
0x10f: {  	v1 =	vld [tilespmem:s8+$0xFFFFFF80];
	[tilespmem:s20+$0x30] =	vst v2;
	v2 =	vmul.f32 $8.000000000e+00, v3  }
0x110: {  	v3 =	vld [tilespmem:s8+$0x0];
	v4 =	vmul.f32 $8.000000000e+00, v4;
	[tilespmem:s20+$0xB0] =	vst v0  }
0x111: {  	v0 =	vld [tilespmem:s8+$0x80];
	v7 =	vmul.f32 $8.000000000e+00, v7;
	[tilespmem:s20+$0x130] =	vst v2  }
0x112: {  	v2 =	vmul.f32 $8.000000000e+00, v6;
	v6 =	vld [tilespmem:s8+$0x100];
	[tilespmem:s20+$0xFFFFFE30] =	vst v4;
	s20 =	sadd.s32 $0x400, s20  }
0x113: {  	v4 =	vld [tilespmem:s8+$0xFFFFFE00];
	v5 =	vmul.f32 $8.000000000e+00, v5;
	[tilespmem:s20+$0x180] =	vst v7  }
0x114: {  	[tilespmem:s20+$0xFFFFFE80] =	vst v2;
	v1 =	vmul.f32 $8.000000000e+00, v1;
	v2 =	vld [tilespmem:s8+$0x190]  }
0x115: {  	v7 =	vld [tilespmem:s8+$0xFFFFFE90];
	[tilespmem:s20+$0xFFFFFF00] =	vst v5;
	v3 =	vmul.f32 $8.000000000e+00, v3  }
0x116: {  	v5 =	vld [tilespmem:s8+$0xFFFFFF10];
	[tilespmem:s20+$0xFFFFFF80] =	vst v1;
	v0 =	vmul.f32 $8.000000000e+00, v0  }
0x117: {  	v1 =	vld [tilespmem:s8+$0xFFFFFF90];
	[tilespmem:s20+$0x0] =	vst v3;
	v3 =	vmul.f32 $8.000000000e+00, v6  }
0x118: {  	v4 =	vmul.f32 $8.000000000e+00, v4;
	v6 =	vld [tilespmem:s8+$0x10];
	[tilespmem:s20+$0x80] =	vst v0  }
0x119: {  	v0 =	vld [tilespmem:s8+$0x90];
	[tilespmem:s20+$0x100] =	vst v3;
	v2 =	vmul.f32 $8.000000000e+00, v2  }
0x11a: {  	[tilespmem:s20+$0xFFFFFE00] =	vst v4;
	v3 =	vmul.f32 $8.000000000e+00, v7;
	v4 =	vld [tilespmem:s8+$0x110]  }
0x11b: {  	v7 =	vld [tilespmem:s8+$0xFFFFFE10];
	v5 =	vmul.f32 $8.000000000e+00, v5;
	[tilespmem:s20+$0x190] =	vst v2  }
0x11c: {  	[tilespmem:s20+$0xFFFFFE90] =	vst v3;
	v1 =	vmul.f32 $8.000000000e+00, v1;
	v2 =	vld [tilespmem:s8+$0x1A0]  }
0x11d: {  	v3 =	vld [tilespmem:s8+$0xFFFFFEA0];
	[tilespmem:s20+$0xFFFFFF10] =	vst v5;
	v5 =	vmul.f32 $8.000000000e+00, v6  }
0x11e: {  	v6 =	vld [tilespmem:s8+$0xFFFFFF20];
	[tilespmem:s20+$0xFFFFFF90] =	vst v1;
	v0 =	vmul.f32 $8.000000000e+00, v0  }
0x11f: {  	v1 =	vld [tilespmem:s8+$0xFFFFFFA0];
	[tilespmem:s20+$0x10] =	vst v5;
	v4 =	vmul.f32 $8.000000000e+00, v4  }
0x120: {  	v5 =	vmul.f32 $8.000000000e+00, v7;
	v7 =	vld [tilespmem:s8+$0x20];
	[tilespmem:s20+$0x90] =	vst v0  }
0x121: {  	v0 =	vld [tilespmem:s8+$0xA0];
	[tilespmem:s20+$0x110] =	vst v4;
	v2 =	vmul.f32 $8.000000000e+00, v2  }
0x122: {  	[tilespmem:s20+$0xFFFFFE10] =	vst v5;
	v3 =	vmul.f32 $8.000000000e+00, v3;
	v4 =	vld [tilespmem:s8+$0x120]  }
0x123: {  	v5 =	vld [tilespmem:s8+$0xFFFFFE20];
	v6 =	vmul.f32 $8.000000000e+00, v6;
	[tilespmem:s20+$0x1A0] =	vst v2  }
0x124: {  	[tilespmem:s20+$0xFFFFFEA0] =	vst v3;
	v1 =	vmul.f32 $8.000000000e+00, v1;
	v3 =	vld [tilespmem:s8+$0x1B0]  }
0x125: {  	v8 =	vld [tilespmem:s8+$0xFFFFFEB0];
	[tilespmem:s20+$0xFFFFFF20] =	vst v6;
	v2 =	vmul.f32 $8.000000000e+00, v7  }
0x126: {  	v7 =	vld [tilespmem:s8+$0xFFFFFF30];
	[tilespmem:s20+$0xFFFFFFA0] =	vst v1;
	v1 =	vmul.f32 $8.000000000e+00, v0  }
.Ltmp4:
0x127: {  	v0 =	vld [tilespmem:s8+$0xFFFFFFB0];
	[tilespmem:s20+$0x20] =	vst v2;
	v4 =	vmul.f32 $8.000000000e+00, v4;
	(pc) =	sbr.rel @p1 .LBB2_7-.Ltmp4, $4  }
0x128: {  	v5 =	vmul.f32 $8.000000000e+00, v5;
	v2 =	vld [tilespmem:s8+$0x30];
	[tilespmem:s20+$0xA0] =	vst v1  }
0x129: {  	v1 =	vld [tilespmem:s8+$0xB0];
	[tilespmem:s20+$0x120] =	vst v4;
	v9 =	vmul.f32 $8.000000000e+00, v3  }
0x12a: {  	[tilespmem:s20+$0xFFFFFE20] =	vst v5;
	v6 =	vmul.f32 $8.000000000e+00, v8;
	v3 =	vld [tilespmem:s8+$0x130]  }
0x12b: {  	v4 =	vld [tilespmem:s8+$0xFFFFFE30];
	v5 =	vmul.f32 $8.000000000e+00, v7;
	[tilespmem:s20+$0x1B0] =	vst v9;
	s8 =	sadd.s32 $0x400, s8  }
0x12c: {  	[tilespmem:s20+$0xFFFFFEB0] =	vst v6;
	v0 =	vmul.f32 $8.000000000e+00, v0  }
0x12d: {  	[tilespmem:s20+$0xFFFFFF30] =	vst v5;
	v2 =	vmul.f32 $8.000000000e+00, v2  }
0x12e: {  	[tilespmem:s20+$0xFFFFFFB0] =	vst v0;
	v0 =	vmul.f32 $8.000000000e+00, v1  }
0x12f: {  	[tilespmem:s20+$0x30] =	vst v2;
	v1 =	vmul.f32 $8.000000000e+00, v3  }
0x130: {  	s8 =	sadd.s32 s24, s16;
	v2 =	vmul.f32 $8.000000000e+00, v4;
	[tilespmem:s20+$0xB0] =	vst v0  }
0x131: {  	s8 =	sshll.u32 s8, $0x4;
	[tilespmem:s20+$0x130] =	vst v1  }
0x132: {  	s8 =	sadd.s32 s5, s8;
	[tilespmem:s20+$0xFFFFFE30] =	vst v2  }
0x133: {  	[hbm4b:s8+s3] =	stream.linear.scatter [tilespmem:s31], [sflag:$0x9], $0x4000, $0x38;
	[tilespmem:$0x18200] =	vst v63  }
0x134: {  	s8 =	sadd.s32 @!p0 s24, s17  }
0x135: {  	s8 =	sshrl.u32 @!p0 s8, $0x3  }
0x136: {  	s30 =	simm.s32 @!p0 $0x100;
	s20 =	simm.s32 @!p0 $0x0;
	s8 =	sadd.s32 @!p0 s2, s8  }
0x137: {  	[tilespmem:s30], [sflag:$0x3] =	stream.linear.gather @!p0 [hbm4b:s8+s20], $0x80, $0x38;
	[tilespmem:$0x18200] =	vst v63  }
0x138: {  	s8 =	simm.s32 @!p0 $0x2  }
0x139: {  	_ =	swait.ge @!p0 [sflag:s8], $0x80  }
0x13a: {  	[sflag:s8] =	ssyncset.done @!p0 $0x0  }
0x13b: {  	s20 =	simm.s32 @!p0 $0x4200;
	[sflag:s8] =	ssyncadd.s32 @!p0 $0xFFFFFF80;
	s8 =	simm.s32 @!p0 $0x80  }
0x13c: {  	[tilespmem:s20], [sflag:$0x6] =	stream.indirect.gather @!p0 [hbm4b:s4+s8], $0x80, s8, s8, $0xb8;
	[tilespmem:$0x18200] =	vst v63  }
0x13d: {  	_ =	swait.ge [sflag:s12], $0x4000  }
0x13e: {  	[sflag:s12] =	ssyncset.done $0x0  }
0x13f: {  	[sflag:s12] =	ssyncadd.s32 $0xFFFFC000  }
0x140: {  	_ =	swait.ge [sflag:s10], $0x4000  }
0x141: {  	[sflag:s10] =	ssyncset.done $0x0  }
0x142: {  	s8 =	simm.s32 $0xC400;
	[sflag:s10] =	ssyncadd.s32 $0xFFFFC000  }
0x143: {  	v0 =	vld [tilespmem:s8+$0x180]  }
0x144: {  	v1 =	vld [tilespmem:s8+$0xFFFFFE80]  }
0x145: {  	v2 =	vld [tilespmem:s8+$0xFFFFFF00]  }
0x146: {  	v3 =	vld [tilespmem:s8+$0xFFFFFF80]  }
0x147: {  	v4 =	vld [tilespmem:s8+$0x0]  }
0x148: {  	v5 =	vld [tilespmem:s8+$0x80];
	v0 =	vmul.f32 $8.000000000e+00, v0  }
0x149: {  	s20 =	simm.s32 $0x14400;
	v6 =	vld [tilespmem:s8+$0x100];
	v1 =	vmul.f32 $8.000000000e+00, v1  }
0x14a: {  	v7 =	vld [tilespmem:s8+$0xFFFFFE00];
	v2 =	vmul.f32 $8.000000000e+00, v2;
	[tilespmem:s20+$0x180] =	vst v0  }
0x14b: {  	[tilespmem:s20+$0xFFFFFE80] =	vst v1;
	v0 =	vmul.f32 $8.000000000e+00, v3;
	v1 =	vld [tilespmem:s8+$0x190]  }
0x14c: {  	[tilespmem:s20+$0xFFFFFF00] =	vst v2;
	v2 =	vmul.f32 $8.000000000e+00, v4;
	v3 =	vld [tilespmem:s8+$0xFFFFFE90]  }
0x14d: {  	v4 =	vld [tilespmem:s8+$0xFFFFFF10];
	[tilespmem:s20+$0xFFFFFF80] =	vst v0;
	v0 =	vmul.f32 $8.000000000e+00, v5  }
0x14e: {  	[tilespmem:s20+$0x0] =	vst v2;
	v2 =	vmul.f32 $8.000000000e+00, v6;
	v5 =	vld [tilespmem:s8+$0xFFFFFF90]  }
0x14f: {  	v6 =	vmul.f32 $8.000000000e+00, v7;
	v7 =	vld [tilespmem:s8+$0x10];
	[tilespmem:s20+$0x80] =	vst v0  }
0x150: {  	[tilespmem:s20+$0x100] =	vst v2;
	v0 =	vld [tilespmem:s8+$0x90];
	v1 =	vmul.f32 $8.000000000e+00, v1  }
0x151: {  	[tilespmem:s20+$0xFFFFFE00] =	vst v6;
	v2 =	vmul.f32 $8.000000000e+00, v3;
	v3 =	vld [tilespmem:s8+$0x110]  }
0x152: {  	v6 =	vld [tilespmem:s8+$0xFFFFFE10];
	v4 =	vmul.f32 $8.000000000e+00, v4;
	[tilespmem:s20+$0x190] =	vst v1  }
0x153: {  	[tilespmem:s20+$0xFFFFFE90] =	vst v2;
	v1 =	vmul.f32 $8.000000000e+00, v5;
	v2 =	vld [tilespmem:s8+$0x1A0]  }
0x154: {  	[tilespmem:s20+$0xFFFFFF10] =	vst v4;
	v4 =	vmul.f32 $8.000000000e+00, v7;
	v5 =	vld [tilespmem:s8+$0xFFFFFEA0]  }
0x155: {  	v7 =	vld [tilespmem:s8+$0xFFFFFF20];
	[tilespmem:s20+$0xFFFFFF90] =	vst v1;
	v0 =	vmul.f32 $8.000000000e+00, v0  }
0x156: {  	[tilespmem:s20+$0x10] =	vst v4;
	v1 =	vld [tilespmem:s8+$0xFFFFFFA0];
	v3 =	vmul.f32 $8.000000000e+00, v3  }
0x157: {  	v4 =	vmul.f32 $8.000000000e+00, v6;
	v6 =	vld [tilespmem:s8+$0x20];
	[tilespmem:s20+$0x90] =	vst v0  }
0x158: {  	v0 =	vld [tilespmem:s8+$0xA0];
	[tilespmem:s20+$0x110] =	vst v3;
	v2 =	vmul.f32 $8.000000000e+00, v2  }
0x159: {  	[tilespmem:s20+$0xFFFFFE10] =	vst v4;
	v3 =	vmul.f32 $8.000000000e+00, v5;
	v4 =	vld [tilespmem:s8+$0x120]  }
0x15a: {  	v5 =	vld [tilespmem:s8+$0xFFFFFE20];
	v7 =	vmul.f32 $8.000000000e+00, v7;
	[tilespmem:s20+$0x1A0] =	vst v2  }
0x15b: {  	[tilespmem:s20+$0xFFFFFEA0] =	vst v3;
	v1 =	vmul.f32 $8.000000000e+00, v1;
	v3 =	vld [tilespmem:s8+$0x1B0]  }
0x15c: {  	[tilespmem:s20+$0xFFFFFF20] =	vst v7;
	v2 =	vmul.f32 $8.000000000e+00, v6;
	v8 =	vld [tilespmem:s8+$0xFFFFFEB0]  }
0x15d: {  	v7 =	vld [tilespmem:s8+$0xFFFFFF30];
	[tilespmem:s20+$0xFFFFFFA0] =	vst v1;
	v1 =	vmul.f32 $8.000000000e+00, v0  }
0x15e: {  	[tilespmem:s20+$0x20] =	vst v2;
	v0 =	vld [tilespmem:s8+$0xFFFFFFB0];
	v4 =	vmul.f32 $8.000000000e+00, v4  }
0x15f: {  	v5 =	vmul.f32 $8.000000000e+00, v5;
	v2 =	vld [tilespmem:s8+$0x30];
	[tilespmem:s20+$0xA0] =	vst v1  }
0x160: {  	v1 =	vld [tilespmem:s8+$0xB0];
	[tilespmem:s20+$0x120] =	vst v4;
	v9 =	vmul.f32 $8.000000000e+00, v3  }
0x161: {  	[tilespmem:s20+$0xFFFFFE20] =	vst v5;
	v3 =	vld [tilespmem:s8+$0x130];
	v6 =	vmul.f32 $8.000000000e+00, v8  }
0x162: {  	s30 =	simm.s32 $0x0;
	v4 =	vld [tilespmem:s8+$0xFFFFFE30];
	v5 =	vmul.f32 $8.000000000e+00, v7;
	s8 =	simm.s32 $0xC800;
	[tilespmem:s20+$0x1B0] =	vst v9  }
.LBB2_9:
0x163: {  	v7 =	vld [tilespmem:s8+$0x180];
	s30 =	sadd.s32 $0x8, s30;
	[tilespmem:s20+$0xFFFFFEB0] =	vst v6;
	v0 =	vmul.f32 $8.000000000e+00, v0  }
0x164: {  	v6 =	vld [tilespmem:s8+$0xFFFFFE80];
	p1 =	slt.u32 s30, $0x78;
	[tilespmem:s20+$0xFFFFFF30] =	vst v5;
	v2 =	vmul.f32 $8.000000000e+00, v2  }
0x165: {  	v5 =	vld [tilespmem:s8+$0xFFFFFF00];
	[tilespmem:s20+$0xFFFFFFB0] =	vst v0;
	v0 =	vmul.f32 $8.000000000e+00, v1  }
0x166: {  	v1 =	vld [tilespmem:s8+$0xFFFFFF80];
	[tilespmem:s20+$0x30] =	vst v2;
	v2 =	vmul.f32 $8.000000000e+00, v3  }
0x167: {  	v3 =	vld [tilespmem:s8+$0x0];
	v4 =	vmul.f32 $8.000000000e+00, v4;
	[tilespmem:s20+$0xB0] =	vst v0  }
0x168: {  	v0 =	vld [tilespmem:s8+$0x80];
	v7 =	vmul.f32 $8.000000000e+00, v7;
	[tilespmem:s20+$0x130] =	vst v2  }
0x169: {  	v2 =	vmul.f32 $8.000000000e+00, v6;
	v6 =	vld [tilespmem:s8+$0x100];
	[tilespmem:s20+$0xFFFFFE30] =	vst v4;
	s20 =	sadd.s32 $0x400, s20  }
0x16a: {  	v4 =	vld [tilespmem:s8+$0xFFFFFE00];
	v5 =	vmul.f32 $8.000000000e+00, v5;
	[tilespmem:s20+$0x180] =	vst v7  }
0x16b: {  	[tilespmem:s20+$0xFFFFFE80] =	vst v2;
	v1 =	vmul.f32 $8.000000000e+00, v1;
	v2 =	vld [tilespmem:s8+$0x190]  }
0x16c: {  	v7 =	vld [tilespmem:s8+$0xFFFFFE90];
	[tilespmem:s20+$0xFFFFFF00] =	vst v5;
	v3 =	vmul.f32 $8.000000000e+00, v3  }
0x16d: {  	v5 =	vld [tilespmem:s8+$0xFFFFFF10];
	[tilespmem:s20+$0xFFFFFF80] =	vst v1;
	v0 =	vmul.f32 $8.000000000e+00, v0  }
0x16e: {  	v1 =	vld [tilespmem:s8+$0xFFFFFF90];
	[tilespmem:s20+$0x0] =	vst v3;
	v3 =	vmul.f32 $8.000000000e+00, v6  }
0x16f: {  	v4 =	vmul.f32 $8.000000000e+00, v4;
	v6 =	vld [tilespmem:s8+$0x10];
	[tilespmem:s20+$0x80] =	vst v0  }
0x170: {  	v0 =	vld [tilespmem:s8+$0x90];
	[tilespmem:s20+$0x100] =	vst v3;
	v2 =	vmul.f32 $8.000000000e+00, v2  }
0x171: {  	[tilespmem:s20+$0xFFFFFE00] =	vst v4;
	v3 =	vmul.f32 $8.000000000e+00, v7;
	v4 =	vld [tilespmem:s8+$0x110]  }
0x172: {  	v7 =	vld [tilespmem:s8+$0xFFFFFE10];
	v5 =	vmul.f32 $8.000000000e+00, v5;
	[tilespmem:s20+$0x190] =	vst v2  }
0x173: {  	[tilespmem:s20+$0xFFFFFE90] =	vst v3;
	v1 =	vmul.f32 $8.000000000e+00, v1;
	v2 =	vld [tilespmem:s8+$0x1A0]  }
0x174: {  	v3 =	vld [tilespmem:s8+$0xFFFFFEA0];
	[tilespmem:s20+$0xFFFFFF10] =	vst v5;
	v5 =	vmul.f32 $8.000000000e+00, v6  }
0x175: {  	v6 =	vld [tilespmem:s8+$0xFFFFFF20];
	[tilespmem:s20+$0xFFFFFF90] =	vst v1;
	v0 =	vmul.f32 $8.000000000e+00, v0  }
0x176: {  	v1 =	vld [tilespmem:s8+$0xFFFFFFA0];
	[tilespmem:s20+$0x10] =	vst v5;
	v4 =	vmul.f32 $8.000000000e+00, v4  }
0x177: {  	v5 =	vmul.f32 $8.000000000e+00, v7;
	v7 =	vld [tilespmem:s8+$0x20];
	[tilespmem:s20+$0x90] =	vst v0  }
0x178: {  	v0 =	vld [tilespmem:s8+$0xA0];
	[tilespmem:s20+$0x110] =	vst v4;
	v2 =	vmul.f32 $8.000000000e+00, v2  }
0x179: {  	[tilespmem:s20+$0xFFFFFE10] =	vst v5;
	v3 =	vmul.f32 $8.000000000e+00, v3;
	v4 =	vld [tilespmem:s8+$0x120]  }
0x17a: {  	v5 =	vld [tilespmem:s8+$0xFFFFFE20];
	v6 =	vmul.f32 $8.000000000e+00, v6;
	[tilespmem:s20+$0x1A0] =	vst v2  }
0x17b: {  	[tilespmem:s20+$0xFFFFFEA0] =	vst v3;
	v1 =	vmul.f32 $8.000000000e+00, v1;
	v3 =	vld [tilespmem:s8+$0x1B0]  }
0x17c: {  	v8 =	vld [tilespmem:s8+$0xFFFFFEB0];
	[tilespmem:s20+$0xFFFFFF20] =	vst v6;
	v2 =	vmul.f32 $8.000000000e+00, v7  }
0x17d: {  	v7 =	vld [tilespmem:s8+$0xFFFFFF30];
	[tilespmem:s20+$0xFFFFFFA0] =	vst v1;
	v1 =	vmul.f32 $8.000000000e+00, v0  }
.Ltmp5:
0x17e: {  	v0 =	vld [tilespmem:s8+$0xFFFFFFB0];
	[tilespmem:s20+$0x20] =	vst v2;
	v4 =	vmul.f32 $8.000000000e+00, v4;
	(pc) =	sbr.rel @p1 .LBB2_9-.Ltmp5, $4  }
0x17f: {  	v5 =	vmul.f32 $8.000000000e+00, v5;
	v2 =	vld [tilespmem:s8+$0x30];
	[tilespmem:s20+$0xA0] =	vst v1  }
0x180: {  	v1 =	vld [tilespmem:s8+$0xB0];
	[tilespmem:s20+$0x120] =	vst v4;
	v9 =	vmul.f32 $8.000000000e+00, v3  }
0x181: {  	[tilespmem:s20+$0xFFFFFE20] =	vst v5;
	v6 =	vmul.f32 $8.000000000e+00, v8;
	v3 =	vld [tilespmem:s8+$0x130]  }
0x182: {  	v4 =	vld [tilespmem:s8+$0xFFFFFE30];
	v5 =	vmul.f32 $8.000000000e+00, v7;
	[tilespmem:s20+$0x1B0] =	vst v9;
	s8 =	sadd.s32 $0x400, s8  }
0x183: {  	[tilespmem:s20+$0xFFFFFEB0] =	vst v6;
	v0 =	vmul.f32 $8.000000000e+00, v0  }
0x184: {  	[tilespmem:s20+$0xFFFFFF30] =	vst v5;
	v2 =	vmul.f32 $8.000000000e+00, v2  }
0x185: {  	[tilespmem:s20+$0xFFFFFFB0] =	vst v0;
	v61 =	vmul.f32 $8.000000000e+00, v1  }
.Ltmp6:
0x186: {  	[tilespmem:s20+$0x30] =	vst v2;
	v62 =	vmul.f32 $8.000000000e+00, v3;
	(pc) =	sbr.rel @p0 .LBB2_12-.Ltmp6, $4  }
0x187: {  	s8 =	sadd.s32 s26, s18;
	v63 =	vmul.f32 $8.000000000e+00, v4;
	[tilespmem:s20+$0xB0] =	vst v61  }
0x188: {  	s8 =	sshrl.u32 s8, $0x3;
	[tilespmem:s20+$0x130] =	vst v62  }
0x189: {  	s8 =	sadd.s32 s5, s8;
	[tilespmem:s20+$0xFFFFFE30] =	vst v63  }
0x18a: {  	[hbm4b:s8+s3] =	stream.linear.scatter [tilespmem:s1], [sflag:$0xA], $0x4000, $0x38;
	[tilespmem:$0x18200] =	vst v63  }
0x18b: {  	s8 =	sadd.s32 s24, s19  }
0x18c: {  	s8 =	sshrl.u32 s8, $0x3  }
0x18d: {  	s8 =	sadd.s32 s2, s8  }
0x18e: {  	[tilespmem:s23], [sflag:$0x4] =	stream.linear.gather [hbm4b:s8+s3], $0x80, $0x38;
	[tilespmem:$0x18200] =	vst v63  }
.Ltmp7:
0x18f: {  	_ = 	snop;
	(pc) =	sbr.rel .LBB2_2-.Ltmp7, $4  }
0x190: {  	_ =	swait.ge [sflag:s29], $0x80  }
0x191: {  	[sflag:s29] =	ssyncset.done $0x0  }
0x192: {  	s30 =	simm.s32 $0x8200;
	s7 =	sadd.s32 $0x1, s7;
	[sflag:s29] =	ssyncadd.s32 $0xFFFFFF80  }
0x193: {  	[tilespmem:s30], [sflag:$0x7] =	stream.indirect.gather [hbm4b:s4+s21], $0x80, s22, s21, $0xb8;
	[tilespmem:$0x18200] =	vst v63  }
.LBB2_13:
0x194: {  	_ =	sfence.sel $0x180000  }
0x195: {  	[bflag:$0x0] =	sbarrier.arrive $0xFFFF  }
0x196: {  	_ =	strace $0x90000047  }
0x197: {  	s0 =	stileid.u32;
	[bflag:$0x2] =	sbarrier.arrive $0xFFFF  }
0x198: {  	p0 =	sne.s32 s0, $0x0;
	s0 =	rddreg [dreg:$0x2]  }
0x199: {  	s0 =	sadd.s32 @!p0 $0x100000, s0  }
0x19a: {  	[sflag:s0] =	ssyncadd.tile.s32 @!p0 $0x1;
	_ =	shalt  }
.Lfunc_end2:
_tile_overlayer_lowered:
.L_overlay_start_2:
0x19b: {  	(tag) =	ssettag $0x2  }
0x19c: {  	s0 =	rddreg [dreg:$0x0];
	s2 =	stileid.u32  }
0x19d: {  	s1 =	rddreg [dreg:$0x1];
	p0 =	sne.s32 s2, $0x0  }
0x19e: {  	s3 =	rddreg [dreg:$0x2];
	[bflag:$0x3] =	sbarrier.arrive $0xFFFF;
	s2 =	simm.s32 @!p0 $0x1C0B  }
0x19f: {  	[timem:s3], [sflag:s2] =	dma.local @!p0 [hbm:s0], s1  }
0x1a0: {  	s0 =	simm.s32 @!p0 $0xB  }
0x1a1: {  	_ =	swait.ge @!p0 [sflag:s0], s1  }
0x1a2: {  	s1 =	ssub.s32 @!p0 $0x0, s1;
	[sflag:s0] =	ssyncset.done @!p0 $0x0  }
0x1a3: {  	[sflag:s0] =	ssyncadd.s32 @!p0 s1  }
0x1a4: {  	[bflag:$0x3] =	sbarrier.arrive $0xFFFF  }
0x1a5: {  	_ =	shalt  }

// kernel: sparse-core-data-format-call.cloned.1.call-start
scs
called_computation_lowered:
.L_overlay_start_0:
0x0: {  	s2 =	sld [smem:$0x3FD9]  }
0x1: {  	s3 =	sld [smem:$0x3FFE];
	_ =	sdelay $0x1  }
0x2: {  	s1 =	srdreg.scid  }
0x3: {  	s0 =	sand.u32 $0x1, s1  }
0x4: {  	s18 =	sshll.u32 s0, $0xA;
	s2 =	sadd.s32 s3, s2  }
0x5: {  	s2 =	sadd.s32 s2, s18  }
0x6: {  	[smem:$0x3FC6] =	sst s2  }
0x7: {  	_ = 	snop  }
0x8: {  	s2 =	sld [smem:$0x3FD0];
	(tm) =	ssettm $0x1  }
0x9: {  	s19 =	sld [smem:$0x3FFB];
	_ =	sdelay $0x3  }
0xa: {  	_ =	strace s19  }
0xb: {  	s3 =	sld [smem:$0x3FFC];
	_ =	sdelay $0x3  }
0xc: {  	_ =	strace s3  }
0xd: {  	s3 =	sld [smem:$0x3FFD];
	_ =	sdelay $0x3  }
0xe: {  	_ =	strace s3  }
0xf: {  	_ =	strace $0x8FFFFFFF  }
0x10: {  	s20 =	sld [smem:$0x3FDB];
	_ =	sdelay $0x1  }
0x11: {  	s4 =	simm.s32 $_scs_section_size  }
0x12: {  	s5 =	simm.s32 $_size__tile_overlayer_lowered;
	s6 =	simm.s32 $_tile_overlayer_lowered  }
0x13: {  	s23 =	simm.s32 $0x1BFF;
	s22 =	sshll.u32 s6, $0x1;
	s3 =	sadd.s32 s4, s20  }
0x14: {  	s7 =	simm.s32 $0x0;
	s21 =	sshll.u32 s5, $0x1;
	s5 =	sadd.s32 s22, s3  }
0x15: {  	[timem:s7], [sflag:s23] =	dma.local [hbm:s5], s21  }
0x16: {  	_ =	swait.ge [sflag:s23], s21  }
0x17: {  	s4 =	ssub.s32 $0x0, s21;
	[sflag:s23] =	ssyncset.done $0x0  }
0x18: {  	[sflag:s23] =	ssyncadd.s32 s4;
	_ =	sdelay $0x1  }
0x19: {  	s24 =	simm.s32 $0x1B8B  }
0x1a: {  	_ =	swait.ge [sflag:s24], $0x1  }
0x1b: {  	[sflag:s24] =	ssyncset.done $0x0  }
0x1c: {  	s26 =	simm.s32 $0x1B8E;
	s25 =	sld [smem:$0x3FFE];
	[sflag:s24] =	ssyncadd.s32 $0xFFFFFFFF  }
0x1d: {  	s27 =	simm.s32 $execute0_lowered;
	[smem:$0x3FD2] =	sst s26  }
0x1e: {  	s5 =	sshll.u32 s27, $0x1;
	_ =	strace $0x80000049;
	[dreg:$0x1] =	wrdreg $0xFFFFFFFF  }
0x1f: {  	s28 =	simm.s32 $_size_execute0_lowered;
	s3 =	sadd.s32 s3, s5;
	[dreg:$0x0] =	wrdreg $0x0  }
0x20: {  	s5 =	sshll.u32 s28, $0x1;
	[dreg:$0x2] =	wrdreg s3  }
0x21: {  	[dreg:$0x3] =	wrdreg s5  }
0x22: {  	[dreg:$0x4] =	wrdreg $0xC0  }
0x23: {  	_ =	task [dreg:s7], $0x5FFFF  }
0x24: {  	[dreg:$0x1] =	wrdreg $0xFFFFFFFF  }
0x25: {  	[dreg:$0x0] =	wrdreg $0x60  }
0x26: {  	[dreg:$0x2] =	wrdreg s25  }
0x27: {  	[dreg:$0x3] =	wrdreg s2  }
0x28: {  	[dreg:$0x4] =	wrdreg $0x9  }
0x29: {  	_ =	task.clear_ibuf [dreg:s7], $0x5FFFF;
	_ =	strace $0x90000049  }
0x2a: {  	s29 =	simm.s32 $0x9;
	_ =	strace $0x8000004B  }
0x2b: {  	_ =	swait.ge [sflag:s29], $0x1  }
0x2c: {  	[sflag:s29] =	ssyncadd.s32 $0xFFFFFFFF  }
0x2d: {  	_ =	strace $0x9000004B  }
0x2e: {  	_ =	sfence  }
0x2f: {  	s30 =	sld [smem:$0x0];
	_ =	sdelay $0x2  }
0x30: {  	s31 =	sshll.u32 s1, $0xD;
	s1 =	sshrl.u32 s1, $0x2  }
0x31: {  	s3 =	sand.u32 $0x4000, s31;
	s1 =	sadd.s32 s1, s30  }
0x32: {  	s0 =	sor.u32 s3, s0;
	s1 =	sshll.u32 s1, $0x11  }
0x33: {  	s0 =	sor.u32 s1, s0  }
0x34: {  	s0 =	sadd.s32 $0x8F2B, s0  }
0x35: {  	[sflag:s0] =	ssyncadd.remote.s32 $0x1  }
0x36: {  	_ =	sfence.sel $0xFFFF  }
0x37: {  	[dreg:$0x0] =	wrdreg $0xFFFFFFFF;
	(pc) =	sbr.abs _section_cstart, $3  }
0x38: {  	[dreg:$0x1] =	wrdreg $0xFFFFFFFF  }
0x39: {  	_ =	task.clear_ibuf [dreg:s7], $0x2FFFF;
	_ =	strace $0x9FFFFFFF  }
0x3a: {  	(tm) =	ssettm $0x7FFFFFFF  }
0x3b: {  	_ =	shalt  }
tec
execute0_lowered:
.L_overlay_start_1:
0x0: {  	(tag) =	ssettag $0x1  }
0x1: {  	s0 =	srdreg.scid  }
0x2: {  	s1 =	sshll.u32 s0, $0x4  }
0x3: {  	s0 =	stileid.u32;
	s1 =	sand.u32 $0x10, s1  }
0x4: {  	s1 =	sor.u32 s0, s1  }
0x5: {  	s6 =	rddreg [dreg:$0x0];
	s4 =	simm.s32 $0x1;
	s2 =	sshll.u32 s1, $0x7  }
0x6: {  	s7 =	simm.s32 $0x2;
	s12 =	simm.s32 $0x0;
	s1 =	ssub.s32 $0x1000, s2  }
0x7: {  	s8 =	simm.s32 $0x8000;
	s13 =	simm.s32 $0x0;
	s3 =	sand.u32 $0xF80, s1  }
0x8: {  	s9 =	simm.s32 $0x0;
	s5 =	sshrl.u32 s1, $0xC;
	p0 =	sne.s32 s3, $0x0  }
.Ltmp0:
0x9: {  	s1 =	rddreg [dreg:$0x2];
	s4 =	simm.s32 @!p0 $0x0;
	(pc) =	sbr.rel .LBB1_1-.Ltmp0, $4  }
0xa: {  	s11 =	simm.s32 $0x0;
	s3 =	rddreg [dreg:$0x1];
	s5 =	sadd.s32 s4, s5  }
0xb: {  	_ =	strace $0x8000004A;
	s4 =	simm.s32 $0x1;
	s5 =	smul.u32 $0xC8, s5  }
0xc: {  	s6 =	sadd.s32 $0xA00, s6;
	s10 =	smov.u32 s2;
	[sflag:s4] =	ssyncpa.u1 $0x0  }
0xd: {  	p0 =	por $0x0, $0x0;
	[sflag:s7] =	ssyncpa.u1 $0x0;
	s7 =	sor.u32 $0x1, s5  }
.LBB1_4:
0xe: {  	s16 =	sshll.u32 s13, $0x3;
	s17 =	sand.u32 $0x78, s13  }
0xf: {  	s30 =	sand.u32 $0x7E00, s13;
	s12 =	sshll.u32 s12, $0xF;
	s16 =	sand.u32 $0xC00, s16  }
0x10: {  	[tilespmem:s15+$0x810 ss:$0x81] =	vst.msk $0xffff, v2;
	s31 =	sand.u32 $0x7, s13;
	s16 =	sor.u32 s17, s16;
	s17 =	sadd.s32 s3, s30  }
0x11: {  	[tilespmem:s15+$0x1020 ss:$0x81] =	vst.msk $0xffff, v0;
	s13 =	sshll.u32 s31, $0x12;
	s12 =	sadd.s32 s12, s17;
	s16 =	sshrl.u32 s16, $0x3  }
0x12: {  	[tilespmem:s15+$0x0 ss:$0x81] =	vst.msk $0xffff, v1;
	s13 =	sor.u32 $0x400, s13;
	s12 =	sadd.s32 s16, s12  }
0x13: {  	[hbm4b:s12+s13] =	stream.strided.scatter [tilespmem:s14], [sflag:$0x2], $0x2000, s8, s13, $0x20;
	[tilespmem:$0x8080] =	vst v63  }
.LBB1_5:
0x14: {  	s14 =	sadd.s32 $0x1, s9  }
0x15: {  	s12 =	sadd.s32 $0x1000, s10;
	s16 =	smov.u32 s10;
	p2 =	sgt.s32 s14, $0xC7  }
0x16: {  	s16 =	smov.u32 @p2 s12  }
0x17: {  	s14 =	simm.s32 @p2 $0x0;
	p2 =	sgt.s32 s16, $0xFFF  }
0x18: {  	s16 =	smov.u32 @p2 s2;
	p2 =	sne.s32 s11, s7  }
.Ltmp1:
0x19: {  	p1 =	slt.u32 s11, $0x2;
	(pc) =	sbr.rel @!p2 .LBB1_6-.Ltmp1, $4  }
0x1a: {  	s15 =	simm.s32 @!p1 $0x2  }
0x1b: {  	s13 =	smov.u32 s10;
	p0 =	por !p0, !p0;
	_ =	swait.ge @!p1 [sflag:s15], $0x2000  }
0x1c: {  	s12 =	smov.u32 s9;
	[sflag:s15] =	ssyncset.done @!p1 $0x0;
	s9 =	smov.u32 s14  }
0x1d: {  	s11 =	sadd.s32 $0x1, s11;
	[sflag:s15] =	ssyncadd.s32 @!p1 $0xFFFFE000;
	s10 =	smov.u32 s16  }
.LBB1_1:
0x1e: {  	p1 =	sge.u32 s11, s5  }
0x1f: {  	s14 =	sand.u32 @!p1 $0x1FFFFFF, s9  }
0x20: {  	s15 =	smulhi.u32 @!p1 $0x147AE15, s14;
	_ =	sdelay $0x1  }
0x21: {  	s15 =	smul.u32 @!p1 $0xC8, s15  }
0x22: {  	s16 =	sxor.u32 @!p1 $0xFFFFFFFF, s11;
	s17 =	smul.u32 @!p1 $0xC80, s10  }
0x23: {  	s31 =	sadd.s32 $0xFFFFFFFF, s11;
	s16 =	sshll.u32 @!p1 s16, $0xD;
	s14 =	ssub.s32 @!p1 s14, s15  }
0x24: {  	s15 =	sand.u32 @!p1 $0x2000, s16;
	s16 =	sadd.s32 @!p1 s6, s17;
	s14 =	sshll.u32 @!p1 s14, $0x4  }
0x25: {  	s17 =	simm.s32 @!p1 $0x6400;
	s14 =	sadd.s32 @!p1 s14, s16;
	s16 =	simm.s32 @!p1 $0x40  }
0x26: {  	[tilespmem:s15], [sflag:$0x1] =	stream.strided.gather @!p1 [hbm4b:s14+s16], $0x2000, s17, s16, $0x38;
	[tilespmem:$0x8080] =	vst v63  }
0x27: {  	p1 =	sge.u32 s31, s5  }
.Ltmp2:
0x28: {  	_ = 	snop;
	(pc) =	sbr.rel @p1 .LBB1_5-.Ltmp2, $1  }
0x29: {  	_ =	sdelay $0x3  }
0x2a: {  	s14 =	simm.s32 $0x1  }
0x2b: {  	_ =	swait.ge [sflag:s4], $0x2000;
	s14 =	simm.s32 @!p0 $0x0  }
0x2c: {  	[sflag:s4] =	ssyncset.done $0x0;
	s15 =	sshll.u32 s14, $0xD  }
0x2d: {  	[sflag:s4] =	ssyncadd.s32 $0xFFFFE000;
	s18 =	sor.u32 $0x20, s15  }
0x2e: {  	s14 =	smul.u32 $0x8100, s14;
	v3 =	vld [tilespmem:s18+$0x10]  }
0x2f: {  	s30 =	sand.u32 $0x1, s11;
	v2 =	vld [tilespmem:s18+$0xFFFFFFF0]  }
0x30: {  	s15 =	smul.u32 $0x8100, s30;
	s14 =	sshrl.u32 s14, $0x2;
	v0 =	vld [tilespmem:s18+$0x0]  }
0x31: {  	v1 =	vld [tilespmem:s18+$0xFFFFFFE0];
	s16 =	sor.u32 $0x4000, s14  }
0x32: {  	s31 =	sshrl.u32 s15, $0x2;
	s15 =	sadd.s32 $0x0, s16  }
0x33: {  	s17 =	simm.s32 $0x4;
	s18 =	sadd.s32 $0x40, s18;
	s14 =	sor.u32 $0x4000, s31;
	[tilespmem:s15+$0x1830 ss:$0x81] =	vst.msk $0xffff, v3  }
.LBB1_3:
0x34: {  	v3 =	vld [tilespmem:s18+$0x10];
	p1 =	sne.s32 s17, $0x1FC;
	[tilespmem:s15+$0x810 ss:$0x81] =	vst.msk $0xffff, v2;
	s19 =	smov.u32 s17;
	s17 =	sadd.s32 $0x4, s17  }
.Ltmp3:
0x35: {  	v2 =	vld [tilespmem:s18+$0xFFFFFFF0];
	[tilespmem:s15+$0x1020 ss:$0x81] =	vst.msk $0xffff, v0;
	(pc) =	sbr.rel @p1 .LBB1_3-.Ltmp3, $4  }
0x36: {  	v0 =	vld [tilespmem:s18+$0x0];
	[tilespmem:s15+$0x0 ss:$0x81] =	vst.msk $0xffff, v1  }
0x37: {  	s15 =	sshra.s32 s19, $0x2;
	v1 =	vld [tilespmem:s18+$0xFFFFFFE0]  }
0x38: {  	s15 =	sadd.s32 s15, s16  }
0x39: {  	s18 =	sadd.s32 $0x40, s18;
	[tilespmem:s15+$0x1830 ss:$0x81] =	vst.msk $0xffff, v3  }
.Ltmp4:
0x3a: {  	_ = 	snop;
	(pc) =	sbr.rel .LBB1_4-.Ltmp4, $1  }
0x3b: {  	_ =	sdelay $0x3  }
.LBB1_6:
0x3c: {  	_ =	sfence.sel $0x180000  }
0x3d: {  	s2 =	simm.s32 $0x1;
	[bflag:$0x0] =	sbarrier.arrive $0xFFFF  }
0x3e: {  	s31 =	simm.s32 $0x2;
	[sflag:s2] =	ssyncpa.u1 $0x1  }
0x3f: {  	[sflag:s31] =	ssyncpa.u1 $0x1  }
0x40: {  	p0 =	sne.s32 s0, $0x0;
	_ =	strace $0x9000004A  }
0x41: {  	s0 =	sadd.s32 @!p0 $0x100000, s1;
	[bflag:$0x2] =	sbarrier.arrive $0xFFFF  }
0x42: {  	[sflag:s0] =	ssyncadd.tile.s32 @!p0 $0x1;
	_ =	shalt  }
.Lfunc_end1:
_tile_overlayer_lowered:
.L_overlay_start_2:
0x43: {  	(tag) =	ssettag $0x2  }
0x44: {  	s0 =	rddreg [dreg:$0x0];
	s2 =	stileid.u32  }
0x45: {  	s1 =	rddreg [dreg:$0x1];
	p0 =	sne.s32 s2, $0x0  }
0x46: {  	s3 =	rddreg [dreg:$0x2];
	[bflag:$0x3] =	sbarrier.arrive $0xFFFF;
	s2 =	simm.s32 @!p0 $0x1C01  }
0x47: {  	[timem:s3], [sflag:s2] =	dma.local @!p0 [hbm:s0], s1  }
0x48: {  	s0 =	simm.s32 @!p0 $0x1  }
0x49: {  	_ =	swait.ge @!p0 [sflag:s0], s1  }
0x4a: {  	s1 =	ssub.s32 @!p0 $0x0, s1;
	[sflag:s0] =	ssyncset.done @!p0 $0x0  }
0x4b: {  	[sflag:s0] =	ssyncadd.s32 @!p0 s1  }
0x4c: {  	[bflag:$0x3] =	sbarrier.arrive $0xFFFF  }
0x4d: {  	_ =	shalt  }

</sc_bundles>
